<compile_context>
chip_gen: v7x
topology: tpu7x:2x2x1
jax: 0.10.2.dev20260603
libtpu: 0.0.44.dev20260713+nightly
codegen_flags: <defaults>
</compile_context>

<pallas_src>
import functools

import jax
import jax.numpy as jnp
from jax import lax
from jax.experimental import pallas as pl
from jax.experimental.pallas import tpu as pltpu
from jax.experimental.pallas import tpu_sc as plsc

NUM_EMB = 1_000_000
DIM = 32
BATCH = 16384
NUM_CORES = 2
NUM_SUBCORES = 16
NUM_TILES = NUM_CORES * NUM_SUBCORES
B_PER_TILE = BATCH // NUM_TILES
CHUNK = 128
NCHUNK = B_PER_TILE // CHUNK
LANES = 16
WIDE = 128
EMB_PER_WIDE = WIDE // DIM
V_WIDE = NUM_EMB // EMB_PER_WIDE
OUT_ROWS_PER_TILE = B_PER_TILE * DIM // WIDE


def _body(tw_hbm, idx_hbm, hp_hbm, wb_hbm, out_hbm,
          idx_v, h_v, off_v, r0_v, r1_v, outb_v, hp_v, wb_v, sem0, sem1):
    t0_hbm = tw_hbm.at[jnp.int32(0)]
    t1_hbm = tw_hbm.at[jnp.int32(1)]
    wid = lax.axis_index("s") * NUM_CORES + lax.axis_index("c")
    base = wid * B_PER_TILE

    with jax.named_scope("copy_in"):
        pltpu.sync_copy(idx_hbm.at[pl.ds(base, B_PER_TILE)], idx_v)
        pltpu.sync_copy(hp_hbm, hp_v)
        pltpu.sync_copy(wb_hbm, wb_v)

    a0 = hp_v[pl.ds(0, LANES)]
    c0 = hp_v[pl.ds(16, LANES)]
    b0 = hp_v[pl.ds(32, LANES)]
    a1 = hp_v[pl.ds(48, LANES)]
    c1 = hp_v[pl.ds(64, LANES)]
    b1 = hp_v[pl.ds(80, LANES)]

    inv_m = jnp.float32(1.0 / NUM_EMB)
    m = jnp.int32(NUM_EMB)

    def _mod_m(s):
        q = (s.astype(jnp.float32) * inv_m).astype(jnp.int32)
        r = s - q * m
        r = jnp.where(r < 0, r + m, r)
        r = jnp.where(r >= m, r - m, r)
        return r

    def hash_iter(j, carry):
        off = pl.multiple_of(j * LANES, LANES)
        x = idx_v[pl.ds(off, LANES)]
        r = _mod_m(x)
        x1 = r >> 10
        x0 = r & 1023
        chunk = j >> 3
        lane_off = pl.multiple_of((j & 7) * LANES, LANES)
        h0 = _mod_m(x0 * a0 + x1 * c0 + b0)
        h1 = _mod_m(x0 * a1 + x1 * c1 + b1)
        sl = pl.ds(lane_off, LANES)
        h_v[0, chunk, sl] = h0 >> 2
        h_v[1, chunk, sl] = h1 >> 2
        off_v[0, chunk, sl] = (h0 & 3) << 5
        off_v[1, chunk, sl] = (h1 & 3) << 5
        return carry

    with jax.named_scope("hash"):
        lax.fori_loop(jnp.int32(0), jnp.int32(B_PER_TILE // LANES),
                      hash_iter, 0)

    w0 = wb_v[pl.ds(0, LANES)]
    w1 = wb_v[pl.ds(16, LANES)]

    def fire(j, sem):
        jj = jnp.int32(j)
        b = jnp.int32(j & 1)
        return (
            pltpu.async_copy(
                t0_hbm.at[h_v.at[jnp.int32(0), jj]], r0_v.at[b], sem),
            pltpu.async_copy(
                t1_hbm.at[h_v.at[jnp.int32(1), jj]], r1_v.at[b], sem),
        )

    def combine(j):
        b = jnp.int32(j & 1)
        r0b = r0_v.at[b]
        r1b = r1_v.at[b]
        jj = jnp.int32(j)

        def grp_iter(g, carry):
            g16 = g * LANES
            rel = lax.iota(jnp.int32, 16) + g16
            o0 = off_v[0, jj, pl.ds(pl.multiple_of(g16, LANES), LANES)]
            o1 = off_v[1, jj, pl.ds(pl.multiple_of(g16, LANES), LANES)]
            k = rel + jnp.int32(j * CHUNK)
            orow = k >> 2
            ocol = (rel & 3) << 5

            def col_iter(c, carry2):
                cb = jnp.broadcast_to(c, (LANES,))
                v0 = plsc.load_gather(r0b, [rel, o0 + cb])
                v1 = plsc.load_gather(r1b, [rel, o1 + cb])
                plsc.store_scatter(outb_v, [orow, ocol + cb],
                                   v0 * w0 + v1 * w1)
                return carry2

            lax.fori_loop(jnp.int32(0), jnp.int32(DIM), col_iter, 0)
            return carry

        lax.fori_loop(jnp.int32(0), jnp.int32(CHUNK // LANES), grp_iter, 0)

    sems = (sem0, sem1)
    with jax.named_scope("gather_combine"):
        pend = fire(0, sems[0])
        for j in range(NCHUNK):
            nxt = fire(j + 1, sems[(j + 1) & 1]) if j + 1 < NCHUNK else None
            for h in pend:
                h.wait()
            combine(j)
            pend = nxt

    with jax.named_scope("copy_out"):
        pltpu.sync_copy(
            outb_v,
            out_hbm.at[pl.ds(wid * OUT_ROWS_PER_TILE, OUT_ROWS_PER_TILE)])


def kernel(indices, tables, weights, hash_a, hash_b):
    idx32 = indices.astype(jnp.int32)
    tw = (jnp.transpose(tables, (0, 2, 1))
          .reshape(2, DIM, V_WIDE, EMB_PER_WIDE)
          .transpose(0, 2, 3, 1)
          .reshape(2, V_WIDE, WIDE))
    a_mod = jnp.mod(hash_a, NUM_EMB).astype(jnp.int32)
    b_mod = jnp.mod(hash_b, NUM_EMB).astype(jnp.int32)
    c_mod = jnp.mod(a_mod * 1024, NUM_EMB).astype(jnp.int32)
    hp = jnp.stack([a_mod[0], c_mod[0], b_mod[0],
                    a_mod[1], c_mod[1], b_mod[1]]).astype(jnp.int32)
    hp = jnp.broadcast_to(hp[:, None], (6, LANES)).reshape(6 * LANES)
    wb = jnp.broadcast_to(
        weights.astype(jnp.float32)[:, None], (2, LANES)).reshape(2 * LANES)

    mesh = plsc.VectorSubcoreMesh(
        core_axis_name="c", subcore_axis_name="s")
    run = pl.kernel(
        _body,
        out_type=jax.ShapeDtypeStruct((BATCH * DIM // WIDE, WIDE),
                                      jnp.float32),
        mesh=mesh,
        scratch_types=[
            pltpu.VMEM((B_PER_TILE,), jnp.int32),
            pltpu.VMEM((2, NCHUNK, CHUNK), jnp.int32),
            pltpu.VMEM((2, NCHUNK, CHUNK), jnp.int32),
            pltpu.VMEM((2, CHUNK, WIDE), jnp.float32),
            pltpu.VMEM((2, CHUNK, WIDE), jnp.float32),
            pltpu.VMEM((OUT_ROWS_PER_TILE, WIDE), jnp.float32),
            pltpu.VMEM((6 * LANES,), jnp.int32),
            pltpu.VMEM((2 * LANES,), jnp.float32),
            pltpu.SemaphoreType.DMA,
            pltpu.SemaphoreType.DMA,
        ],
        compiler_params=pltpu.CompilerParams(
            use_tc_tiling_on_sc=True, needs_layout_passes=False),
    )
    return run(tw, idx32, hp, wb).reshape(BATCH, DIM)

# --- scband reference (transcript-rebuilt; emitter-appended) ---
"""Pipeline reference for scband-hashed-embedding-83056077570577 (READ-ONLY COPY).

The authoritative reference and input builder live on the scoring server;
editing this copy changes nothing except your own understanding.
"""

import jax, jax.numpy as jnp
import numpy as np

jax.config.update("jax_enable_x64", True)

NUM_EMBEDDINGS = 1000000
EMBEDDING_DIM = 32
NUM_HASHES = 2
BATCH = 16384


def setup_inputs(seed: int = 0) -> dict:
    key = jax.random.key(seed)
    k_idx, k_t0, k_t1 = jax.random.split(key, 3)
    indices = jax.random.randint(k_idx, (BATCH,), 0, 10000000, dtype=jnp.int64)
    tables = jnp.stack([
        jax.random.normal(k_t0, (NUM_EMBEDDINGS, EMBEDDING_DIM), dtype=jnp.float32) * 0.01,
        jax.random.normal(k_t1, (NUM_EMBEDDINGS, EMBEDDING_DIM), dtype=jnp.float32) * 0.01,
    ], axis=0)
    hash_a = jnp.array([2654435761, 805459861], dtype=jnp.int64)
    hash_b = jnp.array([1, 2], dtype=jnp.int64)
    weights = jnp.ones((NUM_HASHES,), dtype=jnp.float32) / NUM_HASHES
    return {"indices": indices, "tables": tables, "weights": weights,
            "hash_a": hash_a, "hash_b": hash_b}


def reference(indices, tables, weights, hash_a, hash_b):
    embs = []
    for i in range(NUM_HASHES):
        hashed = (indices * hash_a[i] + hash_b[i]) % NUM_EMBEDDINGS
        embs.append(jnp.take(tables[i], hashed, axis=0))
    stacked = jnp.stack(embs, axis=0)  # (H, B, D)
    w = weights.reshape(-1, *([1] * (stacked.ndim - 1)))
    return (stacked * w).sum(axis=0)

if __name__ == "__main__":
    import jax
    _d = setup_inputs()
    print(jax.jit(kernel)(*tuple(_d.values())))

</pallas_src>

<mosaic_0001>
#map = affine_map<(d0, d1) -> (0, 0, 0)>
#map1 = affine_map<(d0, d1) -> (0)>
#map2 = affine_map<(d0, d1) -> (0, 0)>
module attributes {stable_mosaic.version = 14 : i64} {
  func.func @_body(%arg0: i32, %arg1: i32, %arg2: memref<2x250000x128xf32, #tpu.memory_space<hbm>>, %arg3: memref<16384xi32, #tpu.memory_space<hbm>>, %arg4: memref<96xi32, #tpu.memory_space<hbm>>, %arg5: memref<32xf32, #tpu.memory_space<hbm>>, %arg6: memref<4096x128xf32, #tpu.memory_space<hbm>>, %arg7: memref<512xi32, #tpu.memory_space<vmem>>, %arg8: memref<2x4x128xi32, #tpu.memory_space<vmem>>, %arg9: memref<2x4x128xi32, #tpu.memory_space<vmem>>, %arg10: memref<2x128x128xf32, #tpu.memory_space<vmem>>, %arg11: memref<2x128x128xf32, #tpu.memory_space<vmem>>, %arg12: memref<128x128xf32, #tpu.memory_space<vmem>>, %arg13: memref<96xi32, #tpu.memory_space<vmem>>, %arg14: memref<32xf32, #tpu.memory_space<vmem>>, %arg15: memref<!tpu.dma_semaphore, #tpu.memory_space<semaphore_mem>>, %arg16: memref<!tpu.dma_semaphore, #tpu.memory_space<semaphore_mem>>) attributes {dimension_semantics = [#tpu.dimension_semantics<core_parallel>, #tpu.dimension_semantics<subcore_parallel>], iteration_bounds = array<i64: 2, 16>, scalar_prefetch = 0 : i64, scratch_operands = 10 : i64, tpu.core_type = #tpu.core_type<sc_vector_subcore>, window_params = [{transform_indices = #map}, {transform_indices = #map1}, {transform_indices = #map1}, {transform_indices = #map1}, {transform_indices = #map2}]} {
    %mul3A = arith.constant 2 : i32
    %mul3A_0 = arith.muli %arg1, %mul3A : i32
    %add3A = arith.addi %mul3A_0, %arg0 : i32
    %mul3A_1 = arith.constant 512 : i32
    %mul3A_2 = arith.muli %add3A, %mul3A_1 : i32
    "tpu.trace_start"() <{level = 10 : i32, message = "copy_in"}> : () -> ()
    "tpu.region"() ({
      %run_scoped3A = tpu.sem_alloc : memref<!tpu.dma_semaphore, #tpu.memory_space<semaphore_mem>>
      %dma_start3A_370 = tpu.memref_slice %arg3[%mul3A_2] : memref<16384xi32, #tpu.memory_space<hbm>> -> memref<512xi32, #tpu.memory_space<hbm>>
      %dma_start3A_371 = tpu.memref_slice %arg3[%mul3A_2] : memref<16384xi32, #tpu.memory_space<hbm>> -> memref<512xi32, #tpu.memory_space<hbm>>
      tpu.enqueue_dma source(%dma_start3A_371 : memref<512xi32, #tpu.memory_space<hbm>>) target(%arg7 : memref<512xi32, #tpu.memory_space<vmem>>) target_semaphore(%run_scoped3A : memref<!tpu.dma_semaphore, #tpu.memory_space<semaphore_mem>>)
      %dma_wait3A_372 = tpu.memref_slice %arg3[%mul3A_2] : memref<16384xi32, #tpu.memory_space<hbm>> -> memref<512xi32, #tpu.memory_space<hbm>>
      %dma_wait3A_373 = tpu.memref_slice %arg3[%mul3A_2] : memref<16384xi32, #tpu.memory_space<hbm>> -> memref<512xi32, #tpu.memory_space<hbm>>
      tpu.wait_dma2 semaphore(%run_scoped3A : memref<!tpu.dma_semaphore, #tpu.memory_space<semaphore_mem>>) src(%dma_wait3A_373 : memref<512xi32, #tpu.memory_space<hbm>>) dst(%arg7 : memref<512xi32, #tpu.memory_space<vmem>>)
      tpu.yield
    }) : () -> ()
    "tpu.region"() ({
      %run_scoped3A = tpu.sem_alloc : memref<!tpu.dma_semaphore, #tpu.memory_space<semaphore_mem>>
      tpu.enqueue_dma source(%arg4 : memref<96xi32, #tpu.memory_space<hbm>>) target(%arg13 : memref<96xi32, #tpu.memory_space<vmem>>) target_semaphore(%run_scoped3A : memref<!tpu.dma_semaphore, #tpu.memory_space<semaphore_mem>>)
      tpu.wait_dma2 semaphore(%run_scoped3A : memref<!tpu.dma_semaphore, #tpu.memory_space<semaphore_mem>>) src(%arg4 : memref<96xi32, #tpu.memory_space<hbm>>) dst(%arg13 : memref<96xi32, #tpu.memory_space<vmem>>)
      tpu.yield
    }) : () -> ()
    "tpu.region"() ({
      %run_scoped3A = tpu.sem_alloc : memref<!tpu.dma_semaphore, #tpu.memory_space<semaphore_mem>>
      tpu.enqueue_dma source(%arg5 : memref<32xf32, #tpu.memory_space<hbm>>) target(%arg14 : memref<32xf32, #tpu.memory_space<vmem>>) target_semaphore(%run_scoped3A : memref<!tpu.dma_semaphore, #tpu.memory_space<semaphore_mem>>)
      tpu.wait_dma2 semaphore(%run_scoped3A : memref<!tpu.dma_semaphore, #tpu.memory_space<semaphore_mem>>) src(%arg5 : memref<32xf32, #tpu.memory_space<hbm>>) dst(%arg14 : memref<32xf32, #tpu.memory_space<vmem>>)
      tpu.yield
    }) : () -> ()
    "tpu.trace_stop"() : () -> ()
    %get3A = arith.constant 0 : index
    %get3A_3 = tpu.vector_load %arg13[%get3A] {strides = array<i32>} : memref<96xi32, #tpu.memory_space<vmem>>, vector<16xi32>,
    %get3A_4 = arith.constant 16 : index
    %get3A_5 = tpu.vector_load %arg13[%get3A_4] {strides = array<i32>} : memref<96xi32, #tpu.memory_space<vmem>>, vector<16xi32>,
    %get3A_6 = arith.constant 32 : index
    %get3A_7 = tpu.vector_load %arg13[%get3A_6] {strides = array<i32>} : memref<96xi32, #tpu.memory_space<vmem>>, vector<16xi32>,
    %get3A_8 = arith.constant 48 : index
    %get3A_9 = tpu.vector_load %arg13[%get3A_8] {strides = array<i32>} : memref<96xi32, #tpu.memory_space<vmem>>, vector<16xi32>,
    %get3A_10 = arith.constant 64 : index
    %get3A_11 = tpu.vector_load %arg13[%get3A_10] {strides = array<i32>} : memref<96xi32, #tpu.memory_space<vmem>>, vector<16xi32>,
    %get3A_12 = arith.constant 80 : index
    %get3A_13 = tpu.vector_load %arg13[%get3A_12] {strides = array<i32>} : memref<96xi32, #tpu.memory_space<vmem>>, vector<16xi32>,
    %while3A = arith.constant 0 : i64
    %while3A_14 = arith.constant 9.99999997E-7 : f32
    %while3A_15 = arith.constant 1000000 : i32
    %while3A_16 = arith.constant 0 : i32
    %while3A_17 = arith.constant 32 : i32
    "tpu.trace_start"() <{level = 10 : i32, message = "hash"}> : () -> ()
    %while3A_18 = arith.subi %while3A_17, %while3A_16 : i32
    %while3A_19 = arith.addi %while3A_16, %while3A_18 : i32
    %while3A_20 = arith.constant 1 : i32
    %while3A_21 = arith.divsi %while3A_18, %while3A_20 : i32
    %while3A_22 = arith.muli %while3A_21, %while3A_20 : i32
    %while3A_23 = arith.addi %while3A_16, %while3A_22 : i32
    %while3A_24 = arith.constant 1 : i32
    scf.for %while3A_370 = %while3A_16 to %while3A_23 step %while3A_24  : i32 {
      %mul3A_371 = arith.constant 16 : i32
      %mul3A_372 = arith.muli %while3A_370, %mul3A_371 : i32
      %multiple_of3A = tpu.assume_multiple %mul3A_372, 16 : i32
      %get3A_373 = arith.index_cast %multiple_of3A : i32 to index
      %get3A_374 = tpu.vector_load %arg7[%get3A_373] {strides = array<i32>} : memref<512xi32, #tpu.memory_space<vmem>>, vector<16xi32>,
      %convert_element_type3A = arith.sitofp %get3A_374 : vector<16xi32> to vector<16xf32>
      %mul3A_375 = vector.broadcast %while3A_14 : f32 to vector<16xf32>
      %mul3A_376 = arith.mulf %convert_element_type3A, %mul3A_375 : vector<16xf32>
      %convert_element_type3A_377 = arith.fptosi %mul3A_376 : vector<16xf32> to vector<16xi32>
      %mul3A_378 = vector.broadcast %while3A_15 : i32 to vector<16xi32>
      %mul3A_379 = arith.muli %convert_element_type3A_377, %mul3A_378 : vector<16xi32>
      %sub3A = arith.subi %get3A_374, %mul3A_379 : vector<16xi32>
      %lt3A = arith.constant 0 : i32
      %lt3A_380 = vector.broadcast %lt3A : i32 to vector<16xi32>
      %lt3A_381 = arith.cmpi slt, %sub3A, %lt3A_380 : vector<16xi32>
      %add3A_382 = vector.broadcast %while3A_15 : i32 to vector<16xi32>
      %add3A_383 = arith.addi %sub3A, %add3A_382 : vector<16xi32>
      %select_n3A = arith.select %lt3A_381, %add3A_383, %sub3A : vector<16xi1>, vector<16xi32>
      %ge3A = vector.broadcast %while3A_15 : i32 to vector<16xi32>
      %ge3A_384 = arith.cmpi sge, %select_n3A, %ge3A : vector<16xi32>
      %sub3A_385 = vector.broadcast %while3A_15 : i32 to vector<16xi32>
      %sub3A_386 = arith.subi %select_n3A, %sub3A_385 : vector<16xi32>
      %select_n3A_387 = arith.select %ge3A_384, %sub3A_386, %select_n3A : vector<16xi1>, vector<16xi32>
      %shift_right_arithmetic3A = arith.constant 10 : i32
      %shift_right_arithmetic3A_388 = vector.broadcast %shift_right_arithmetic3A : i32 to vector<16xi32>
      %shift_right_arithmetic3A_389 = arith.shrsi %select_n3A_387, %shift_right_arithmetic3A_388 : vector<16xi32>
      %and3A = arith.constant 1023 : i32
      %and3A_390 = vector.broadcast %and3A : i32 to vector<16xi32>
      %and3A_391 = arith.andi %select_n3A_387, %and3A_390 : vector<16xi32>
      %shift_right_arithmetic3A_392 = arith.constant 3 : i32
      %shift_right_arithmetic3A_393 = arith.shrsi %while3A_370, %shift_right_arithmetic3A_392 : i32
      %and3A_394 = arith.constant 7 : i32
      %and3A_395 = arith.andi %while3A_370, %and3A_394 : i32
      %mul3A_396 = arith.constant 16 : i32
      %mul3A_397 = arith.muli %and3A_395, %mul3A_396 : i32
      %multiple_of3A_398 = tpu.assume_multiple %mul3A_397, 16 : i32
      %mul3A_399 = arith.muli %and3A_391, %get3A_3 : vector<16xi32>
      %mul3A_400 = arith.muli %shift_right_arithmetic3A_389, %get3A_5 : vector<16xi32>
      %add3A_401 = arith.addi %mul3A_399, %mul3A_400 : vector<16xi32>
      %add3A_402 = arith.addi %add3A_401, %get3A_7 : vector<16xi32>
      %convert_element_type3A_403 = arith.sitofp %add3A_402 : vector<16xi32> to vector<16xf32>
      %mul3A_404 = vector.broadcast %while3A_14 : f32 to vector<16xf32>
      %mul3A_405 = arith.mulf %convert_element_type3A_403, %mul3A_404 : vector<16xf32>
      %convert_element_type3A_406 = arith.fptosi %mul3A_405 : vector<16xf32> to vector<16xi32>
      %mul3A_407 = vector.broadcast %while3A_15 : i32 to vector<16xi32>
      %mul3A_408 = arith.muli %convert_element_type3A_406, %mul3A_407 : vector<16xi32>
      %sub3A_409 = arith.subi %add3A_402, %mul3A_408 : vector<16xi32>
      %lt3A_410 = arith.constant 0 : i32
      %lt3A_411 = vector.broadcast %lt3A_410 : i32 to vector<16xi32>
      %lt3A_412 = arith.cmpi slt, %sub3A_409, %lt3A_411 : vector<16xi32>
      %add3A_413 = vector.broadcast %while3A_15 : i32 to vector<16xi32>
      %add3A_414 = arith.addi %sub3A_409, %add3A_413 : vector<16xi32>
      %select_n3A_415 = arith.select %lt3A_412, %add3A_414, %sub3A_409 : vector<16xi1>, vector<16xi32>
      %ge3A_416 = vector.broadcast %while3A_15 : i32 to vector<16xi32>
      %ge3A_417 = arith.cmpi sge, %select_n3A_415, %ge3A_416 : vector<16xi32>
      %sub3A_418 = vector.broadcast %while3A_15 : i32 to vector<16xi32>
      %sub3A_419 = arith.subi %select_n3A_415, %sub3A_418 : vector<16xi32>
      %select_n3A_420 = arith.select %ge3A_417, %sub3A_419, %select_n3A_415 : vector<16xi1>, vector<16xi32>
      %mul3A_421 = arith.muli %and3A_391, %get3A_9 : vector<16xi32>
      %mul3A_422 = arith.muli %shift_right_arithmetic3A_389, %get3A_11 : vector<16xi32>
      %add3A_423 = arith.addi %mul3A_421, %mul3A_422 : vector<16xi32>
      %add3A_424 = arith.addi %add3A_423, %get3A_13 : vector<16xi32>
      %convert_element_type3A_425 = arith.sitofp %add3A_424 : vector<16xi32> to vector<16xf32>
      %mul3A_426 = vector.broadcast %while3A_14 : f32 to vector<16xf32>
      %mul3A_427 = arith.mulf %convert_element_type3A_425, %mul3A_426 : vector<16xf32>
      %convert_element_type3A_428 = arith.fptosi %mul3A_427 : vector<16xf32> to vector<16xi32>
      %mul3A_429 = vector.broadcast %while3A_15 : i32 to vector<16xi32>
      %mul3A_430 = arith.muli %convert_element_type3A_428, %mul3A_429 : vector<16xi32>
      %sub3A_431 = arith.subi %add3A_424, %mul3A_430 : vector<16xi32>
      %lt3A_432 = arith.constant 0 : i32
      %lt3A_433 = vector.broadcast %lt3A_432 : i32 to vector<16xi32>
      %lt3A_434 = arith.cmpi slt, %sub3A_431, %lt3A_433 : vector<16xi32>
      %add3A_435 = vector.broadcast %while3A_15 : i32 to vector<16xi32>
      %add3A_436 = arith.addi %sub3A_431, %add3A_435 : vector<16xi32>
      %select_n3A_437 = arith.select %lt3A_434, %add3A_436, %sub3A_431 : vector<16xi1>, vector<16xi32>
      %ge3A_438 = vector.broadcast %while3A_15 : i32 to vector<16xi32>
      %ge3A_439 = arith.cmpi sge, %select_n3A_437, %ge3A_438 : vector<16xi32>
      %sub3A_440 = vector.broadcast %while3A_15 : i32 to vector<16xi32>
      %sub3A_441 = arith.subi %select_n3A_437, %sub3A_440 : vector<16xi32>
      %select_n3A_442 = arith.select %ge3A_439, %sub3A_441, %select_n3A_437 : vector<16xi1>, vector<16xi32>
      %shift_right_arithmetic3A_443 = arith.constant 2 : i32
      %shift_right_arithmetic3A_444 = vector.broadcast %shift_right_arithmetic3A_443 : i32 to vector<16xi32>
      %shift_right_arithmetic3A_445 = arith.shrsi %select_n3A_420, %shift_right_arithmetic3A_444 : vector<16xi32>
      %swap3A = arith.constant 0 : i64
      %swap3A_446 = arith.index_cast %swap3A : i64 to index
      %swap3A_447 = arith.index_cast %shift_right_arithmetic3A_393 : i32 to index
      %swap3A_448 = arith.index_cast %multiple_of3A_398 : i32 to index
      %swap3A_449 = tpu.vector_load %arg8[%swap3A_446, %swap3A_447, %swap3A_448] {strides = array<i32>} : memref<2x4x128xi32, #tpu.memory_space<vmem>>, vector<16xi32>,
      tpu.vector_store %arg8[%swap3A_446, %swap3A_447, %swap3A_448], %shift_right_arithmetic3A_445 {strides = array<i32>} : memref<2x4x128xi32, #tpu.memory_space<vmem>>, vector<16xi32>,
      %shift_right_arithmetic3A_450 = arith.constant 2 : i32
      %shift_right_arithmetic3A_451 = vector.broadcast %shift_right_arithmetic3A_450 : i32 to vector<16xi32>
      %shift_right_arithmetic3A_452 = arith.shrsi %select_n3A_442, %shift_right_arithmetic3A_451 : vector<16xi32>
      %swap3A_453 = arith.constant 1 : i64
      %swap3A_454 = arith.index_cast %swap3A_453 : i64 to index
      %swap3A_455 = arith.index_cast %shift_right_arithmetic3A_393 : i32 to index
      %swap3A_456 = arith.index_cast %multiple_of3A_398 : i32 to index
      %swap3A_457 = tpu.vector_load %arg8[%swap3A_454, %swap3A_455, %swap3A_456] {strides = array<i32>} : memref<2x4x128xi32, #tpu.memory_space<vmem>>, vector<16xi32>,
      tpu.vector_store %arg8[%swap3A_454, %swap3A_455, %swap3A_456], %shift_right_arithmetic3A_452 {strides = array<i32>} : memref<2x4x128xi32, #tpu.memory_space<vmem>>, vector<16xi32>,
      %and3A_458 = arith.constant 3 : i32
      %and3A_459 = vector.broadcast %and3A_458 : i32 to vector<16xi32>
      %and3A_460 = arith.andi %select_n3A_420, %and3A_459 : vector<16xi32>
      %shift_left3A = arith.constant 5 : i32
      %shift_left3A_461 = vector.broadcast %shift_left3A : i32 to vector<16xi32>
      %shift_left3A_462 = arith.shli %and3A_460, %shift_left3A_461 : vector<16xi32>
      %swap3A_463 = arith.constant 0 : i64
      %swap3A_464 = arith.index_cast %swap3A_463 : i64 to index
      %swap3A_465 = arith.index_cast %shift_right_arithmetic3A_393 : i32 to index
      %swap3A_466 = arith.index_cast %multiple_of3A_398 : i32 to index
      %swap3A_467 = tpu.vector_load %arg9[%swap3A_464, %swap3A_465, %swap3A_466] {strides = array<i32>} : memref<2x4x128xi32, #tpu.memory_space<vmem>>, vector<16xi32>,
      tpu.vector_store %arg9[%swap3A_464, %swap3A_465, %swap3A_466], %shift_left3A_462 {strides = array<i32>} : memref<2x4x128xi32, #tpu.memory_space<vmem>>, vector<16xi32>,
      %and3A_468 = arith.constant 3 : i32
      %and3A_469 = vector.broadcast %and3A_468 : i32 to vector<16xi32>
      %and3A_470 = arith.andi %select_n3A_442, %and3A_469 : vector<16xi32>
      %shift_left3A_471 = arith.constant 5 : i32
      %shift_left3A_472 = vector.broadcast %shift_left3A_471 : i32 to vector<16xi32>
      %shift_left3A_473 = arith.shli %and3A_470, %shift_left3A_472 : vector<16xi32>
      %swap3A_474 = arith.constant 1 : i64
      %swap3A_475 = arith.index_cast %swap3A_474 : i64 to index
      %swap3A_476 = arith.index_cast %shift_right_arithmetic3A_393 : i32 to index
      %swap3A_477 = arith.index_cast %multiple_of3A_398 : i32 to index
      %swap3A_478 = tpu.vector_load %arg9[%swap3A_475, %swap3A_476, %swap3A_477] {strides = array<i32>} : memref<2x4x128xi32, #tpu.memory_space<vmem>>, vector<16xi32>,
      tpu.vector_store %arg9[%swap3A_475, %swap3A_476, %swap3A_477], %shift_left3A_473 {strides = array<i32>} : memref<2x4x128xi32, #tpu.memory_space<vmem>>, vector<16xi32>,
    }
    %while3A_25 = arith.constant 1 : i32
    scf.for %while3A_370 = %while3A_23 to %while3A_19 step %while3A_25  : i32 {
      %mul3A_371 = arith.constant 16 : i32
      %mul3A_372 = arith.muli %while3A_370, %mul3A_371 : i32
      %multiple_of3A = tpu.assume_multiple %mul3A_372, 16 : i32
      %get3A_373 = arith.index_cast %multiple_of3A : i32 to index
      %get3A_374 = tpu.vector_load %arg7[%get3A_373] {strides = array<i32>} : memref<512xi32, #tpu.memory_space<vmem>>, vector<16xi32>,
      %convert_element_type3A = arith.sitofp %get3A_374 : vector<16xi32> to vector<16xf32>
      %mul3A_375 = vector.broadcast %while3A_14 : f32 to vector<16xf32>
      %mul3A_376 = arith.mulf %convert_element_type3A, %mul3A_375 : vector<16xf32>
      %convert_element_type3A_377 = arith.fptosi %mul3A_376 : vector<16xf32> to vector<16xi32>
      %mul3A_378 = vector.broadcast %while3A_15 : i32 to vector<16xi32>
      %mul3A_379 = arith.muli %convert_element_type3A_377, %mul3A_378 : vector<16xi32>
      %sub3A = arith.subi %get3A_374, %mul3A_379 : vector<16xi32>
      %lt3A = arith.constant 0 : i32
      %lt3A_380 = vector.broadcast %lt3A : i32 to vector<16xi32>
      %lt3A_381 = arith.cmpi slt, %sub3A, %lt3A_380 : vector<16xi32>
      %add3A_382 = vector.broadcast %while3A_15 : i32 to vector<16xi32>
      %add3A_383 = arith.addi %sub3A, %add3A_382 : vector<16xi32>
      %select_n3A = arith.select %lt3A_381, %add3A_383, %sub3A : vector<16xi1>, vector<16xi32>
      %ge3A = vector.broadcast %while3A_15 : i32 to vector<16xi32>
      %ge3A_384 = arith.cmpi sge, %select_n3A, %ge3A : vector<16xi32>
      %sub3A_385 = vector.broadcast %while3A_15 : i32 to vector<16xi32>
      %sub3A_386 = arith.subi %select_n3A, %sub3A_385 : vector<16xi32>
      %select_n3A_387 = arith.select %ge3A_384, %sub3A_386, %select_n3A : vector<16xi1>, vector<16xi32>
      %shift_right_arithmetic3A = arith.constant 10 : i32
      %shift_right_arithmetic3A_388 = vector.broadcast %shift_right_arithmetic3A : i32 to vector<16xi32>
      %shift_right_arithmetic3A_389 = arith.shrsi %select_n3A_387, %shift_right_arithmetic3A_388 : vector<16xi32>
      %and3A = arith.constant 1023 : i32
      %and3A_390 = vector.broadcast %and3A : i32 to vector<16xi32>
      %and3A_391 = arith.andi %select_n3A_387, %and3A_390 : vector<16xi32>
      %shift_right_arithmetic3A_392 = arith.constant 3 : i32
      %shift_right_arithmetic3A_393 = arith.shrsi %while3A_370, %shift_right_arithmetic3A_392 : i32
      %and3A_394 = arith.constant 7 : i32
      %and3A_395 = arith.andi %while3A_370, %and3A_394 : i32
      %mul3A_396 = arith.constant 16 : i32
      %mul3A_397 = arith.muli %and3A_395, %mul3A_396 : i32
      %multiple_of3A_398 = tpu.assume_multiple %mul3A_397, 16 : i32
      %mul3A_399 = arith.muli %and3A_391, %get3A_3 : vector<16xi32>
      %mul3A_400 = arith.muli %shift_right_arithmetic3A_389, %get3A_5 : vector<16xi32>
      %add3A_401 = arith.addi %mul3A_399, %mul3A_400 : vector<16xi32>
      %add3A_402 = arith.addi %add3A_401, %get3A_7 : vector<16xi32>
      %convert_element_type3A_403 = arith.sitofp %add3A_402 : vector<16xi32> to vector<16xf32>
      %mul3A_404 = vector.broadcast %while3A_14 : f32 to vector<16xf32>
      %mul3A_405 = arith.mulf %convert_element_type3A_403, %mul3A_404 : vector<16xf32>
      %convert_element_type3A_406 = arith.fptosi %mul3A_405 : vector<16xf32> to vector<16xi32>
      %mul3A_407 = vector.broadcast %while3A_15 : i32 to vector<16xi32>
      %mul3A_408 = arith.muli %convert_element_type3A_406, %mul3A_407 : vector<16xi32>
      %sub3A_409 = arith.subi %add3A_402, %mul3A_408 : vector<16xi32>
      %lt3A_410 = arith.constant 0 : i32
      %lt3A_411 = vector.broadcast %lt3A_410 : i32 to vector<16xi32>
      %lt3A_412 = arith.cmpi slt, %sub3A_409, %lt3A_411 : vector<16xi32>
      %add3A_413 = vector.broadcast %while3A_15 : i32 to vector<16xi32>
      %add3A_414 = arith.addi %sub3A_409, %add3A_413 : vector<16xi32>
      %select_n3A_415 = arith.select %lt3A_412, %add3A_414, %sub3A_409 : vector<16xi1>, vector<16xi32>
      %ge3A_416 = vector.broadcast %while3A_15 : i32 to vector<16xi32>
      %ge3A_417 = arith.cmpi sge, %select_n3A_415, %ge3A_416 : vector<16xi32>
      %sub3A_418 = vector.broadcast %while3A_15 : i32 to vector<16xi32>
      %sub3A_419 = arith.subi %select_n3A_415, %sub3A_418 : vector<16xi32>
      %select_n3A_420 = arith.select %ge3A_417, %sub3A_419, %select_n3A_415 : vector<16xi1>, vector<16xi32>
      %mul3A_421 = arith.muli %and3A_391, %get3A_9 : vector<16xi32>
      %mul3A_422 = arith.muli %shift_right_arithmetic3A_389, %get3A_11 : vector<16xi32>
      %add3A_423 = arith.addi %mul3A_421, %mul3A_422 : vector<16xi32>
      %add3A_424 = arith.addi %add3A_423, %get3A_13 : vector<16xi32>
      %convert_element_type3A_425 = arith.sitofp %add3A_424 : vector<16xi32> to vector<16xf32>
      %mul3A_426 = vector.broadcast %while3A_14 : f32 to vector<16xf32>
      %mul3A_427 = arith.mulf %convert_element_type3A_425, %mul3A_426 : vector<16xf32>
      %convert_element_type3A_428 = arith.fptosi %mul3A_427 : vector<16xf32> to vector<16xi32>
      %mul3A_429 = vector.broadcast %while3A_15 : i32 to vector<16xi32>
      %mul3A_430 = arith.muli %convert_element_type3A_428, %mul3A_429 : vector<16xi32>
      %sub3A_431 = arith.subi %add3A_424, %mul3A_430 : vector<16xi32>
      %lt3A_432 = arith.constant 0 : i32
      %lt3A_433 = vector.broadcast %lt3A_432 : i32 to vector<16xi32>
      %lt3A_434 = arith.cmpi slt, %sub3A_431, %lt3A_433 : vector<16xi32>
      %add3A_435 = vector.broadcast %while3A_15 : i32 to vector<16xi32>
      %add3A_436 = arith.addi %sub3A_431, %add3A_435 : vector<16xi32>
      %select_n3A_437 = arith.select %lt3A_434, %add3A_436, %sub3A_431 : vector<16xi1>, vector<16xi32>
      %ge3A_438 = vector.broadcast %while3A_15 : i32 to vector<16xi32>
      %ge3A_439 = arith.cmpi sge, %select_n3A_437, %ge3A_438 : vector<16xi32>
      %sub3A_440 = vector.broadcast %while3A_15 : i32 to vector<16xi32>
      %sub3A_441 = arith.subi %select_n3A_437, %sub3A_440 : vector<16xi32>
      %select_n3A_442 = arith.select %ge3A_439, %sub3A_441, %select_n3A_437 : vector<16xi1>, vector<16xi32>
      %shift_right_arithmetic3A_443 = arith.constant 2 : i32
      %shift_right_arithmetic3A_444 = vector.broadcast %shift_right_arithmetic3A_443 : i32 to vector<16xi32>
      %shift_right_arithmetic3A_445 = arith.shrsi %select_n3A_420, %shift_right_arithmetic3A_444 : vector<16xi32>
      %swap3A = arith.constant 0 : i64
      %swap3A_446 = arith.index_cast %swap3A : i64 to index
      %swap3A_447 = arith.index_cast %shift_right_arithmetic3A_393 : i32 to index
      %swap3A_448 = arith.index_cast %multiple_of3A_398 : i32 to index
      %swap3A_449 = tpu.vector_load %arg8[%swap3A_446, %swap3A_447, %swap3A_448] {strides = array<i32>} : memref<2x4x128xi32, #tpu.memory_space<vmem>>, vector<16xi32>,
      tpu.vector_store %arg8[%swap3A_446, %swap3A_447, %swap3A_448], %shift_right_arithmetic3A_445 {strides = array<i32>} : memref<2x4x128xi32, #tpu.memory_space<vmem>>, vector<16xi32>,
      %shift_right_arithmetic3A_450 = arith.constant 2 : i32
      %shift_right_arithmetic3A_451 = vector.broadcast %shift_right_arithmetic3A_450 : i32 to vector<16xi32>
      %shift_right_arithmetic3A_452 = arith.shrsi %select_n3A_442, %shift_right_arithmetic3A_451 : vector<16xi32>
      %swap3A_453 = arith.constant 1 : i64
      %swap3A_454 = arith.index_cast %swap3A_453 : i64 to index
      %swap3A_455 = arith.index_cast %shift_right_arithmetic3A_393 : i32 to index
      %swap3A_456 = arith.index_cast %multiple_of3A_398 : i32 to index
      %swap3A_457 = tpu.vector_load %arg8[%swap3A_454, %swap3A_455, %swap3A_456] {strides = array<i32>} : memref<2x4x128xi32, #tpu.memory_space<vmem>>, vector<16xi32>,
      tpu.vector_store %arg8[%swap3A_454, %swap3A_455, %swap3A_456], %shift_right_arithmetic3A_452 {strides = array<i32>} : memref<2x4x128xi32, #tpu.memory_space<vmem>>, vector<16xi32>,
      %and3A_458 = arith.constant 3 : i32
      %and3A_459 = vector.broadcast %and3A_458 : i32 to vector<16xi32>
      %and3A_460 = arith.andi %select_n3A_420, %and3A_459 : vector<16xi32>
      %shift_left3A = arith.constant 5 : i32
      %shift_left3A_461 = vector.broadcast %shift_left3A : i32 to vector<16xi32>
      %shift_left3A_462 = arith.shli %and3A_460, %shift_left3A_461 : vector<16xi32>
      %swap3A_463 = arith.constant 0 : i64
      %swap3A_464 = arith.index_cast %swap3A_463 : i64 to index
      %swap3A_465 = arith.index_cast %shift_right_arithmetic3A_393 : i32 to index
      %swap3A_466 = arith.index_cast %multiple_of3A_398 : i32 to index
      %swap3A_467 = tpu.vector_load %arg9[%swap3A_464, %swap3A_465, %swap3A_466] {strides = array<i32>} : memref<2x4x128xi32, #tpu.memory_space<vmem>>, vector<16xi32>,
      tpu.vector_store %arg9[%swap3A_464, %swap3A_465, %swap3A_466], %shift_left3A_462 {strides = array<i32>} : memref<2x4x128xi32, #tpu.memory_space<vmem>>, vector<16xi32>,
      %and3A_468 = arith.constant 3 : i32
      %and3A_469 = vector.broadcast %and3A_468 : i32 to vector<16xi32>
      %and3A_470 = arith.andi %select_n3A_442, %and3A_469 : vector<16xi32>
      %shift_left3A_471 = arith.constant 5 : i32
      %shift_left3A_472 = vector.broadcast %shift_left3A_471 : i32 to vector<16xi32>
      %shift_left3A_473 = arith.shli %and3A_470, %shift_left3A_472 : vector<16xi32>
      %swap3A_474 = arith.constant 1 : i64
      %swap3A_475 = arith.index_cast %swap3A_474 : i64 to index
      %swap3A_476 = arith.index_cast %shift_right_arithmetic3A_393 : i32 to index
      %swap3A_477 = arith.index_cast %multiple_of3A_398 : i32 to index
      %swap3A_478 = tpu.vector_load %arg9[%swap3A_475, %swap3A_476, %swap3A_477] {strides = array<i32>} : memref<2x4x128xi32, #tpu.memory_space<vmem>>, vector<16xi32>,
      tpu.vector_store %arg9[%swap3A_475, %swap3A_476, %swap3A_477], %shift_left3A_473 {strides = array<i32>} : memref<2x4x128xi32, #tpu.memory_space<vmem>>, vector<16xi32>,
    }
    "tpu.trace_stop"() : () -> ()
    %get3A_26 = arith.constant 0 : index
    %get3A_27 = tpu.vector_load %arg14[%get3A_26] {strides = array<i32>} : memref<32xf32, #tpu.memory_space<vmem>>, vector<16xf32>,
    %get3A_28 = arith.constant 16 : index
    %get3A_29 = tpu.vector_load %arg14[%get3A_28] {strides = array<i32>} : memref<32xf32, #tpu.memory_space<vmem>>, vector<16xf32>,
    %dma_start3A = arith.constant 0 : i32
    %dma_start3A_30 = arith.constant 0 : i32
    %dma_start3A_31 = arith.constant 0 : i32
    %dma_start3A_32 = arith.constant 0 : i32
    "tpu.trace_start"() <{level = 10 : i32, message = "gather_combine"}> : () -> ()
    %dma_start3A_33 = arith.constant 0 : i32
    %dma_start3A_34 = arith.constant 0 : i32
    %dma_start3A_35 = tpu.memref_slice %arg10[%dma_start3A_32, %dma_start3A_33, %dma_start3A_34] : memref<2x128x128xf32, #tpu.memory_space<vmem>> -> memref<1x128x128xf32, #tpu.memory_space<vmem>>
    %dma_start3A_36 = tpu.memref_squeeze %dma_start3A_35 : memref<1x128x128xf32, #tpu.memory_space<vmem>> -> memref<128x128xf32, #tpu.memory_space<vmem>>
    %dma_start3A_37 = arith.constant 0 : i32
    %dma_start3A_38 = tpu.memref_slice %arg8[%dma_start3A_30, %dma_start3A_31, %dma_start3A_37] : memref<2x4x128xi32, #tpu.memory_space<vmem>> -> memref<1x1x128xi32, #tpu.memory_space<vmem>>
    %dma_start3A_39 = tpu.memref_squeeze %dma_start3A_38 : memref<1x1x128xi32, #tpu.memory_space<vmem>> -> memref<128xi32, #tpu.memory_space<vmem>>
    %dma_start3A_40 = arith.constant 0 : i32
    %dma_start3A_41 = arith.constant 0 : i32
    %dma_start3A_42 = tpu.memref_slice %arg2[%dma_start3A, %dma_start3A_40, %dma_start3A_41] : memref<2x250000x128xf32, #tpu.memory_space<hbm>> -> memref<1x250000x128xf32, #tpu.memory_space<hbm>>
    %dma_start3A_43 = tpu.memref_squeeze %dma_start3A_42 : memref<1x250000x128xf32, #tpu.memory_space<hbm>> -> memref<250000x128xf32, #tpu.memory_space<hbm>>
    %dma_start3A_44 = arith.constant 0 : i32
    %dma_start3A_45 = arith.constant 0 : i32
    %dma_start3A_46 = tpu.memref_slice %dma_start3A_43[%dma_start3A_44, %dma_start3A_45] : memref<250000x128xf32, #tpu.memory_space<hbm>> -> memref<250000x128xf32, #tpu.memory_space<hbm>>
    tpu.enqueue_indirect_dma source(%dma_start3A_46 : memref<250000x128xf32, #tpu.memory_space<hbm>>) target(%dma_start3A_36 : memref<128x128xf32, #tpu.memory_space<vmem>>) offsets(%dma_start3A_39 : memref<128xi32, #tpu.memory_space<vmem>>) semaphore(%arg15 : memref<!tpu.dma_semaphore, #tpu.memory_space<semaphore_mem>>)
    %dma_start3A_47 = arith.constant 1 : i32
    %dma_start3A_48 = arith.constant 1 : i32
    %dma_start3A_49 = arith.constant 0 : i32
    %dma_start3A_50 = arith.constant 0 : i32
    %dma_start3A_51 = arith.constant 0 : i32
    %dma_start3A_52 = arith.constant 0 : i32
    %dma_start3A_53 = tpu.memref_slice %arg11[%dma_start3A_50, %dma_start3A_51, %dma_start3A_52] : memref<2x128x128xf32, #tpu.memory_space<vmem>> -> memref<1x128x128xf32, #tpu.memory_space<vmem>>
    %dma_start3A_54 = tpu.memref_squeeze %dma_start3A_53 : memref<1x128x128xf32, #tpu.memory_space<vmem>> -> memref<128x128xf32, #tpu.memory_space<vmem>>
    %dma_start3A_55 = arith.constant 0 : i32
    %dma_start3A_56 = tpu.memref_slice %arg8[%dma_start3A_48, %dma_start3A_49, %dma_start3A_55] : memref<2x4x128xi32, #tpu.memory_space<vmem>> -> memref<1x1x128xi32, #tpu.memory_space<vmem>>
    %dma_start3A_57 = tpu.memref_squeeze %dma_start3A_56 : memref<1x1x128xi32, #tpu.memory_space<vmem>> -> memref<128xi32, #tpu.memory_space<vmem>>
    %dma_start3A_58 = arith.constant 0 : i32
    %dma_start3A_59 = arith.constant 0 : i32
    %dma_start3A_60 = tpu.memref_slice %arg2[%dma_start3A_47, %dma_start3A_58, %dma_start3A_59] : memref<2x250000x128xf32, #tpu.memory_space<hbm>> -> memref<1x250000x128xf32, #tpu.memory_space<hbm>>
    %dma_start3A_61 = tpu.memref_squeeze %dma_start3A_60 : memref<1x250000x128xf32, #tpu.memory_space<hbm>> -> memref<250000x128xf32, #tpu.memory_space<hbm>>
    %dma_start3A_62 = arith.constant 0 : i32
    %dma_start3A_63 = arith.constant 0 : i32
    %dma_start3A_64 = tpu.memref_slice %dma_start3A_61[%dma_start3A_62, %dma_start3A_63] : memref<250000x128xf32, #tpu.memory_space<hbm>> -> memref<250000x128xf32, #tpu.memory_space<hbm>>
    tpu.enqueue_indirect_dma source(%dma_start3A_64 : memref<250000x128xf32, #tpu.memory_space<hbm>>) target(%dma_start3A_54 : memref<128x128xf32, #tpu.memory_space<vmem>>) offsets(%dma_start3A_57 : memref<128xi32, #tpu.memory_space<vmem>>) semaphore(%arg15 : memref<!tpu.dma_semaphore, #tpu.memory_space<semaphore_mem>>)
    %dma_start3A_65 = arith.constant 0 : i32
    %dma_start3A_66 = arith.constant 0 : i32
    %dma_start3A_67 = arith.constant 1 : i32
    %dma_start3A_68 = arith.constant 1 : i32
    %dma_start3A_69 = arith.constant 0 : i32
    %dma_start3A_70 = arith.constant 0 : i32
    %dma_start3A_71 = tpu.memref_slice %arg10[%dma_start3A_68, %dma_start3A_69, %dma_start3A_70] : memref<2x128x128xf32, #tpu.memory_space<vmem>> -> memref<1x128x128xf32, #tpu.memory_space<vmem>>
    %dma_start3A_72 = tpu.memref_squeeze %dma_start3A_71 : memref<1x128x128xf32, #tpu.memory_space<vmem>> -> memref<128x128xf32, #tpu.memory_space<vmem>>
    %dma_start3A_73 = arith.constant 0 : i32
    %dma_start3A_74 = tpu.memref_slice %arg8[%dma_start3A_66, %dma_start3A_67, %dma_start3A_73] : memref<2x4x128xi32, #tpu.memory_space<vmem>> -> memref<1x1x128xi32, #tpu.memory_space<vmem>>
    %dma_start3A_75 = tpu.memref_squeeze %dma_start3A_74 : memref<1x1x128xi32, #tpu.memory_space<vmem>> -> memref<128xi32, #tpu.memory_space<vmem>>
    %dma_start3A_76 = arith.constant 0 : i32
    %dma_start3A_77 = arith.constant 0 : i32
    %dma_start3A_78 = tpu.memref_slice %arg2[%dma_start3A_65, %dma_start3A_76, %dma_start3A_77] : memref<2x250000x128xf32, #tpu.memory_space<hbm>> -> memref<1x250000x128xf32, #tpu.memory_space<hbm>>
    %dma_start3A_79 = tpu.memref_squeeze %dma_start3A_78 : memref<1x250000x128xf32, #tpu.memory_space<hbm>> -> memref<250000x128xf32, #tpu.memory_space<hbm>>
    %dma_start3A_80 = arith.constant 0 : i32
    %dma_start3A_81 = arith.constant 0 : i32
    %dma_start3A_82 = tpu.memref_slice %dma_start3A_79[%dma_start3A_80, %dma_start3A_81] : memref<250000x128xf32, #tpu.memory_space<hbm>> -> memref<250000x128xf32, #tpu.memory_space<hbm>>
    tpu.enqueue_indirect_dma source(%dma_start3A_82 : memref<250000x128xf32, #tpu.memory_space<hbm>>) target(%dma_start3A_72 : memref<128x128xf32, #tpu.memory_space<vmem>>) offsets(%dma_start3A_75 : memref<128xi32, #tpu.memory_space<vmem>>) semaphore(%arg16 : memref<!tpu.dma_semaphore, #tpu.memory_space<semaphore_mem>>)
    %dma_start3A_83 = arith.constant 1 : i32
    %dma_start3A_84 = arith.constant 1 : i32
    %dma_start3A_85 = arith.constant 1 : i32
    %dma_start3A_86 = arith.constant 1 : i32
    %dma_start3A_87 = arith.constant 0 : i32
    %dma_start3A_88 = arith.constant 0 : i32
    %dma_start3A_89 = tpu.memref_slice %arg11[%dma_start3A_86, %dma_start3A_87, %dma_start3A_88] : memref<2x128x128xf32, #tpu.memory_space<vmem>> -> memref<1x128x128xf32, #tpu.memory_space<vmem>>
    %dma_start3A_90 = tpu.memref_squeeze %dma_start3A_89 : memref<1x128x128xf32, #tpu.memory_space<vmem>> -> memref<128x128xf32, #tpu.memory_space<vmem>>
    %dma_start3A_91 = arith.constant 0 : i32
    %dma_start3A_92 = tpu.memref_slice %arg8[%dma_start3A_84, %dma_start3A_85, %dma_start3A_91] : memref<2x4x128xi32, #tpu.memory_space<vmem>> -> memref<1x1x128xi32, #tpu.memory_space<vmem>>
    %dma_start3A_93 = tpu.memref_squeeze %dma_start3A_92 : memref<1x1x128xi32, #tpu.memory_space<vmem>> -> memref<128xi32, #tpu.memory_space<vmem>>
    %dma_start3A_94 = arith.constant 0 : i32
    %dma_start3A_95 = arith.constant 0 : i32
    %dma_start3A_96 = tpu.memref_slice %arg2[%dma_start3A_83, %dma_start3A_94, %dma_start3A_95] : memref<2x250000x128xf32, #tpu.memory_space<hbm>> -> memref<1x250000x128xf32, #tpu.memory_space<hbm>>
    %dma_start3A_97 = tpu.memref_squeeze %dma_start3A_96 : memref<1x250000x128xf32, #tpu.memory_space<hbm>> -> memref<250000x128xf32, #tpu.memory_space<hbm>>
    %dma_start3A_98 = arith.constant 0 : i32
    %dma_start3A_99 = arith.constant 0 : i32
    %dma_start3A_100 = tpu.memref_slice %dma_start3A_97[%dma_start3A_98, %dma_start3A_99] : memref<250000x128xf32, #tpu.memory_space<hbm>> -> memref<250000x128xf32, #tpu.memory_space<hbm>>
    tpu.enqueue_indirect_dma source(%dma_start3A_100 : memref<250000x128xf32, #tpu.memory_space<hbm>>) target(%dma_start3A_90 : memref<128x128xf32, #tpu.memory_space<vmem>>) offsets(%dma_start3A_93 : memref<128xi32, #tpu.memory_space<vmem>>) semaphore(%arg16 : memref<!tpu.dma_semaphore, #tpu.memory_space<semaphore_mem>>)
    %dma_wait3A = arith.constant 0 : i32
    %dma_wait3A_101 = arith.constant 0 : i32
    %dma_wait3A_102 = arith.constant 0 : i32
    %dma_wait3A_103 = arith.constant 0 : i32
    %dma_wait3A_104 = arith.constant 0 : i32
    %dma_wait3A_105 = arith.constant 0 : i32
    %dma_wait3A_106 = tpu.memref_slice %arg10[%dma_wait3A_103, %dma_wait3A_104, %dma_wait3A_105] : memref<2x128x128xf32, #tpu.memory_space<vmem>> -> memref<1x128x128xf32, #tpu.memory_space<vmem>>
    %dma_wait3A_107 = tpu.memref_squeeze %dma_wait3A_106 : memref<1x128x128xf32, #tpu.memory_space<vmem>> -> memref<128x128xf32, #tpu.memory_space<vmem>>
    %dma_wait3A_108 = arith.constant 0 : i32
    %dma_wait3A_109 = tpu.memref_slice %arg8[%dma_wait3A_101, %dma_wait3A_102, %dma_wait3A_108] : memref<2x4x128xi32, #tpu.memory_space<vmem>> -> memref<1x1x128xi32, #tpu.memory_space<vmem>>
    %dma_wait3A_110 = tpu.memref_squeeze %dma_wait3A_109 : memref<1x1x128xi32, #tpu.memory_space<vmem>> -> memref<128xi32, #tpu.memory_space<vmem>>
    %dma_wait3A_111 = arith.constant 0 : i32
    %dma_wait3A_112 = arith.constant 0 : i32
    %dma_wait3A_113 = tpu.memref_slice %arg2[%dma_wait3A, %dma_wait3A_111, %dma_wait3A_112] : memref<2x250000x128xf32, #tpu.memory_space<hbm>> -> memref<1x250000x128xf32, #tpu.memory_space<hbm>>
    %dma_wait3A_114 = tpu.memref_squeeze %dma_wait3A_113 : memref<1x250000x128xf32, #tpu.memory_space<hbm>> -> memref<250000x128xf32, #tpu.memory_space<hbm>>
    %dma_wait3A_115 = arith.constant 0 : i32
    %dma_wait3A_116 = arith.constant 0 : i32
    %dma_wait3A_117 = tpu.memref_slice %dma_wait3A_114[%dma_wait3A_115, %dma_wait3A_116] : memref<250000x128xf32, #tpu.memory_space<hbm>> -> memref<250000x128xf32, #tpu.memory_space<hbm>>
    tpu.wait_indirect_dma semaphore(%arg15 : memref<!tpu.dma_semaphore, #tpu.memory_space<semaphore_mem>>) src(%dma_wait3A_117 : memref<250000x128xf32, #tpu.memory_space<hbm>>) dst(%dma_wait3A_107 : memref<128x128xf32, #tpu.memory_space<vmem>>)
    %dma_wait3A_118 = arith.constant 1 : i32
    %dma_wait3A_119 = arith.constant 1 : i32
    %dma_wait3A_120 = arith.constant 0 : i32
    %dma_wait3A_121 = arith.constant 0 : i32
    %dma_wait3A_122 = arith.constant 0 : i32
    %dma_wait3A_123 = arith.constant 0 : i32
    %dma_wait3A_124 = tpu.memref_slice %arg11[%dma_wait3A_121, %dma_wait3A_122, %dma_wait3A_123] : memref<2x128x128xf32, #tpu.memory_space<vmem>> -> memref<1x128x128xf32, #tpu.memory_space<vmem>>
    %dma_wait3A_125 = tpu.memref_squeeze %dma_wait3A_124 : memref<1x128x128xf32, #tpu.memory_space<vmem>> -> memref<128x128xf32, #tpu.memory_space<vmem>>
    %dma_wait3A_126 = arith.constant 0 : i32
    %dma_wait3A_127 = tpu.memref_slice %arg8[%dma_wait3A_119, %dma_wait3A_120, %dma_wait3A_126] : memref<2x4x128xi32, #tpu.memory_space<vmem>> -> memref<1x1x128xi32, #tpu.memory_space<vmem>>
    %dma_wait3A_128 = tpu.memref_squeeze %dma_wait3A_127 : memref<1x1x128xi32, #tpu.memory_space<vmem>> -> memref<128xi32, #tpu.memory_space<vmem>>
    %dma_wait3A_129 = arith.constant 0 : i32
    %dma_wait3A_130 = arith.constant 0 : i32
    %dma_wait3A_131 = tpu.memref_slice %arg2[%dma_wait3A_118, %dma_wait3A_129, %dma_wait3A_130] : memref<2x250000x128xf32, #tpu.memory_space<hbm>> -> memref<1x250000x128xf32, #tpu.memory_space<hbm>>
    %dma_wait3A_132 = tpu.memref_squeeze %dma_wait3A_131 : memref<1x250000x128xf32, #tpu.memory_space<hbm>> -> memref<250000x128xf32, #tpu.memory_space<hbm>>
    %dma_wait3A_133 = arith.constant 0 : i32
    %dma_wait3A_134 = arith.constant 0 : i32
    %dma_wait3A_135 = tpu.memref_slice %dma_wait3A_132[%dma_wait3A_133, %dma_wait3A_134] : memref<250000x128xf32, #tpu.memory_space<hbm>> -> memref<250000x128xf32, #tpu.memory_space<hbm>>
    tpu.wait_indirect_dma semaphore(%arg15 : memref<!tpu.dma_semaphore, #tpu.memory_space<semaphore_mem>>) src(%dma_wait3A_135 : memref<250000x128xf32, #tpu.memory_space<hbm>>) dst(%dma_wait3A_125 : memref<128x128xf32, #tpu.memory_space<vmem>>)
    %while3A_136 = arith.constant 0 : i64
    %while3A_137 = arith.constant 0 : i32
    %while3A_138 = arith.constant 0 : i32
    %while3A_139 = arith.constant 0 : i32
    %while3A_140 = arith.constant 8 : i32
    %while3A_141 = arith.subi %while3A_140, %while3A_139 : i32
    %while3A_142 = arith.addi %while3A_139, %while3A_141 : i32
    %while3A_143 = arith.constant 1 : i32
    %while3A_144 = arith.divsi %while3A_141, %while3A_143 : i32
    %while3A_145 = arith.muli %while3A_144, %while3A_143 : i32
    %while3A_146 = arith.addi %while3A_139, %while3A_145 : i32
    %while3A_147 = arith.constant 1 : i32
    scf.for %while3A_370 = %while3A_139 to %while3A_146 step %while3A_147  : i32 {
      %mul3A_371 = arith.constant 16 : i32
      %mul3A_372 = arith.muli %while3A_370, %mul3A_371 : i32
      %iota3A = tpu.iota {dimensions = array<i32: 0>} : vector<16xi32>
      %add3A_373 = vector.broadcast %mul3A_372 : i32 to vector<16xi32>
      %add3A_374 = arith.addi %iota3A, %add3A_373 : vector<16xi32>
      %multiple_of3A = tpu.assume_multiple %mul3A_372, 16 : i32
      %get3A_375 = arith.constant 0 : i64
      %get3A_376 = arith.index_cast %get3A_375 : i64 to index
      %get3A_377 = arith.index_cast %while3A_137 : i32 to index
      %get3A_378 = arith.index_cast %multiple_of3A : i32 to index
      %get3A_379 = tpu.vector_load %arg9[%get3A_376, %get3A_377, %get3A_378] {strides = array<i32>} : memref<2x4x128xi32, #tpu.memory_space<vmem>>, vector<16xi32>,
      %multiple_of3A_380 = tpu.assume_multiple %mul3A_372, 16 : i32
      %get3A_381 = arith.constant 1 : i64
      %get3A_382 = arith.index_cast %get3A_381 : i64 to index
      %get3A_383 = arith.index_cast %while3A_137 : i32 to index
      %get3A_384 = arith.index_cast %multiple_of3A_380 : i32 to index
      %get3A_385 = tpu.vector_load %arg9[%get3A_382, %get3A_383, %get3A_384] {strides = array<i32>} : memref<2x4x128xi32, #tpu.memory_space<vmem>>, vector<16xi32>,
      %add3A_386 = arith.constant 0 : i32
      %add3A_387 = vector.broadcast %add3A_386 : i32 to vector<16xi32>
      %add3A_388 = arith.addi %add3A_374, %add3A_387 : vector<16xi32>
      %shift_right_arithmetic3A = arith.constant 2 : i32
      %shift_right_arithmetic3A_389 = vector.broadcast %shift_right_arithmetic3A : i32 to vector<16xi32>
      %shift_right_arithmetic3A_390 = arith.shrsi %add3A_388, %shift_right_arithmetic3A_389 : vector<16xi32>
      %and3A = arith.constant 3 : i32
      %and3A_391 = vector.broadcast %and3A : i32 to vector<16xi32>
      %and3A_392 = arith.andi %add3A_374, %and3A_391 : vector<16xi32>
      %shift_left3A = arith.constant 5 : i32
      %shift_left3A_393 = vector.broadcast %shift_left3A : i32 to vector<16xi32>
      %shift_left3A_394 = arith.shli %and3A_392, %shift_left3A_393 : vector<16xi32>
      %while3A_395 = arith.constant 0 : i64
      %while3A_396 = arith.constant 0 : i32
      %while3A_397 = arith.constant 32 : i32
      %while3A_398 = arith.subi %while3A_397, %while3A_396 : i32
      %while3A_399 = arith.addi %while3A_396, %while3A_398 : i32
      %while3A_400 = arith.constant 1 : i32
      %while3A_401 = arith.divsi %while3A_398, %while3A_400 : i32
      %while3A_402 = arith.muli %while3A_401, %while3A_400 : i32
      %while3A_403 = arith.addi %while3A_396, %while3A_402 : i32
      %while3A_404 = arith.constant 1 : i32
      scf.for %while3A_406 = %while3A_396 to %while3A_403 step %while3A_404  : i32 {
        %broadcast_in_dim3A = vector.broadcast %while3A_406 : i32 to vector<16xi32>
        %add3A_407 = arith.addi %get3A_379, %broadcast_in_dim3A : vector<16xi32>
        %gather3A = arith.constant 0 : i32
        %gather3A_408 = arith.constant 0 : i32
        %gather3A_409 = tpu.memref_slice %arg10[%while3A_138, %gather3A, %gather3A_408] : memref<2x128x128xf32, #tpu.memory_space<vmem>> -> memref<1x128x128xf32, #tpu.memory_space<vmem>>
        %gather3A_410 = tpu.memref_squeeze %gather3A_409 : memref<1x128x128xf32, #tpu.memory_space<vmem>> -> memref<128x128xf32, #tpu.memory_space<vmem>>
        %gather3A_411 = tpu.vector_load_idx %gather3A_410[%add3A_374, %add3A_407] : memref<128x128xf32, #tpu.memory_space<vmem>>[vector<16xi32>, vector<16xi32>], vector<16xf32>,
        %add3A_412 = arith.addi %get3A_385, %broadcast_in_dim3A : vector<16xi32>
        %gather3A_413 = arith.constant 0 : i32
        %gather3A_414 = arith.constant 0 : i32
        %gather3A_415 = tpu.memref_slice %arg11[%while3A_138, %gather3A_413, %gather3A_414] : memref<2x128x128xf32, #tpu.memory_space<vmem>> -> memref<1x128x128xf32, #tpu.memory_space<vmem>>
        %gather3A_416 = tpu.memref_squeeze %gather3A_415 : memref<1x128x128xf32, #tpu.memory_space<vmem>> -> memref<128x128xf32, #tpu.memory_space<vmem>>
        %gather3A_417 = tpu.vector_load_idx %gather3A_416[%add3A_374, %add3A_412] : memref<128x128xf32, #tpu.memory_space<vmem>>[vector<16xi32>, vector<16xi32>], vector<16xf32>,
        %add3A_418 = arith.addi %shift_left3A_394, %broadcast_in_dim3A : vector<16xi32>
        %mul3A_419 = arith.mulf %gather3A_411, %get3A_27 : vector<16xf32>
        %mul3A_420 = arith.mulf %gather3A_417, %get3A_29 : vector<16xf32>
        %add3A_421 = arith.addf %mul3A_419, %mul3A_420 : vector<16xf32>
        tpu.vector_store_idx %arg12[%shift_right_arithmetic3A_390, %add3A_418], %add3A_421 : memref<128x128xf32, #tpu.memory_space<vmem>>[vector<16xi32>, vector<16xi32>], vector<16xf32>,
      }
      %while3A_405 = arith.constant 1 : i32
      scf.for %while3A_406 = %while3A_403 to %while3A_399 step %while3A_405  : i32 {
        %broadcast_in_dim3A = vector.broadcast %while3A_406 : i32 to vector<16xi32>
        %add3A_407 = arith.addi %get3A_379, %broadcast_in_dim3A : vector<16xi32>
        %gather3A = arith.constant 0 : i32
        %gather3A_408 = arith.constant 0 : i32
        %gather3A_409 = tpu.memref_slice %arg10[%while3A_138, %gather3A, %gather3A_408] : memref<2x128x128xf32, #tpu.memory_space<vmem>> -> memref<1x128x128xf32, #tpu.memory_space<vmem>>
        %gather3A_410 = tpu.memref_squeeze %gather3A_409 : memref<1x128x128xf32, #tpu.memory_space<vmem>> -> memref<128x128xf32, #tpu.memory_space<vmem>>
        %gather3A_411 = tpu.vector_load_idx %gather3A_410[%add3A_374, %add3A_407] : memref<128x128xf32, #tpu.memory_space<vmem>>[vector<16xi32>, vector<16xi32>], vector<16xf32>,
        %add3A_412 = arith.addi %get3A_385, %broadcast_in_dim3A : vector<16xi32>
        %gather3A_413 = arith.constant 0 : i32
        %gather3A_414 = arith.constant 0 : i32
        %gather3A_415 = tpu.memref_slice %arg11[%while3A_138, %gather3A_413, %gather3A_414] : memref<2x128x128xf32, #tpu.memory_space<vmem>> -> memref<1x128x128xf32, #tpu.memory_space<vmem>>
        %gather3A_416 = tpu.memref_squeeze %gather3A_415 : memref<1x128x128xf32, #tpu.memory_space<vmem>> -> memref<128x128xf32, #tpu.memory_space<vmem>>
        %gather3A_417 = tpu.vector_load_idx %gather3A_416[%add3A_374, %add3A_412] : memref<128x128xf32, #tpu.memory_space<vmem>>[vector<16xi32>, vector<16xi32>], vector<16xf32>,
        %add3A_418 = arith.addi %shift_left3A_394, %broadcast_in_dim3A : vector<16xi32>
        %mul3A_419 = arith.mulf %gather3A_411, %get3A_27 : vector<16xf32>
        %mul3A_420 = arith.mulf %gather3A_417, %get3A_29 : vector<16xf32>
        %add3A_421 = arith.addf %mul3A_419, %mul3A_420 : vector<16xf32>
        tpu.vector_store_idx %arg12[%shift_right_arithmetic3A_390, %add3A_418], %add3A_421 : memref<128x128xf32, #tpu.memory_space<vmem>>[vector<16xi32>, vector<16xi32>], vector<16xf32>,
      }
    }
    %while3A_148 = arith.constant 1 : i32
    scf.for %while3A_370 = %while3A_146 to %while3A_142 step %while3A_148  : i32 {
      %mul3A_371 = arith.constant 16 : i32
      %mul3A_372 = arith.muli %while3A_370, %mul3A_371 : i32
      %iota3A = tpu.iota {dimensions = array<i32: 0>} : vector<16xi32>
      %add3A_373 = vector.broadcast %mul3A_372 : i32 to vector<16xi32>
      %add3A_374 = arith.addi %iota3A, %add3A_373 : vector<16xi32>
      %multiple_of3A = tpu.assume_multiple %mul3A_372, 16 : i32
      %get3A_375 = arith.constant 0 : i64
      %get3A_376 = arith.index_cast %get3A_375 : i64 to index
      %get3A_377 = arith.index_cast %while3A_137 : i32 to index
      %get3A_378 = arith.index_cast %multiple_of3A : i32 to index
      %get3A_379 = tpu.vector_load %arg9[%get3A_376, %get3A_377, %get3A_378] {strides = array<i32>} : memref<2x4x128xi32, #tpu.memory_space<vmem>>, vector<16xi32>,
      %multiple_of3A_380 = tpu.assume_multiple %mul3A_372, 16 : i32
      %get3A_381 = arith.constant 1 : i64
      %get3A_382 = arith.index_cast %get3A_381 : i64 to index
      %get3A_383 = arith.index_cast %while3A_137 : i32 to index
      %get3A_384 = arith.index_cast %multiple_of3A_380 : i32 to index
      %get3A_385 = tpu.vector_load %arg9[%get3A_382, %get3A_383, %get3A_384] {strides = array<i32>} : memref<2x4x128xi32, #tpu.memory_space<vmem>>, vector<16xi32>,
      %add3A_386 = arith.constant 0 : i32
      %add3A_387 = vector.broadcast %add3A_386 : i32 to vector<16xi32>
      %add3A_388 = arith.addi %add3A_374, %add3A_387 : vector<16xi32>
      %shift_right_arithmetic3A = arith.constant 2 : i32
      %shift_right_arithmetic3A_389 = vector.broadcast %shift_right_arithmetic3A : i32 to vector<16xi32>
      %shift_right_arithmetic3A_390 = arith.shrsi %add3A_388, %shift_right_arithmetic3A_389 : vector<16xi32>
      %and3A = arith.constant 3 : i32
      %and3A_391 = vector.broadcast %and3A : i32 to vector<16xi32>
      %and3A_392 = arith.andi %add3A_374, %and3A_391 : vector<16xi32>
      %shift_left3A = arith.constant 5 : i32
      %shift_left3A_393 = vector.broadcast %shift_left3A : i32 to vector<16xi32>
      %shift_left3A_394 = arith.shli %and3A_392, %shift_left3A_393 : vector<16xi32>
      %while3A_395 = arith.constant 0 : i64
      %while3A_396 = arith.constant 0 : i32
      %while3A_397 = arith.constant 32 : i32
      %while3A_398 = arith.subi %while3A_397, %while3A_396 : i32
      %while3A_399 = arith.addi %while3A_396, %while3A_398 : i32
      %while3A_400 = arith.constant 1 : i32
      %while3A_401 = arith.divsi %while3A_398, %while3A_400 : i32
      %while3A_402 = arith.muli %while3A_401, %while3A_400 : i32
      %while3A_403 = arith.addi %while3A_396, %while3A_402 : i32
      %while3A_404 = arith.constant 1 : i32
      scf.for %while3A_406 = %while3A_396 to %while3A_403 step %while3A_404  : i32 {
        %broadcast_in_dim3A = vector.broadcast %while3A_406 : i32 to vector<16xi32>
        %add3A_407 = arith.addi %get3A_379, %broadcast_in_dim3A : vector<16xi32>
        %gather3A = arith.constant 0 : i32
        %gather3A_408 = arith.constant 0 : i32
        %gather3A_409 = tpu.memref_slice %arg10[%while3A_138, %gather3A, %gather3A_408] : memref<2x128x128xf32, #tpu.memory_space<vmem>> -> memref<1x128x128xf32, #tpu.memory_space<vmem>>
        %gather3A_410 = tpu.memref_squeeze %gather3A_409 : memref<1x128x128xf32, #tpu.memory_space<vmem>> -> memref<128x128xf32, #tpu.memory_space<vmem>>
        %gather3A_411 = tpu.vector_load_idx %gather3A_410[%add3A_374, %add3A_407] : memref<128x128xf32, #tpu.memory_space<vmem>>[vector<16xi32>, vector<16xi32>], vector<16xf32>,
        %add3A_412 = arith.addi %get3A_385, %broadcast_in_dim3A : vector<16xi32>
        %gather3A_413 = arith.constant 0 : i32
        %gather3A_414 = arith.constant 0 : i32
        %gather3A_415 = tpu.memref_slice %arg11[%while3A_138, %gather3A_413, %gather3A_414] : memref<2x128x128xf32, #tpu.memory_space<vmem>> -> memref<1x128x128xf32, #tpu.memory_space<vmem>>
        %gather3A_416 = tpu.memref_squeeze %gather3A_415 : memref<1x128x128xf32, #tpu.memory_space<vmem>> -> memref<128x128xf32, #tpu.memory_space<vmem>>
        %gather3A_417 = tpu.vector_load_idx %gather3A_416[%add3A_374, %add3A_412] : memref<128x128xf32, #tpu.memory_space<vmem>>[vector<16xi32>, vector<16xi32>], vector<16xf32>,
        %add3A_418 = arith.addi %shift_left3A_394, %broadcast_in_dim3A : vector<16xi32>
        %mul3A_419 = arith.mulf %gather3A_411, %get3A_27 : vector<16xf32>
        %mul3A_420 = arith.mulf %gather3A_417, %get3A_29 : vector<16xf32>
        %add3A_421 = arith.addf %mul3A_419, %mul3A_420 : vector<16xf32>
        tpu.vector_store_idx %arg12[%shift_right_arithmetic3A_390, %add3A_418], %add3A_421 : memref<128x128xf32, #tpu.memory_space<vmem>>[vector<16xi32>, vector<16xi32>], vector<16xf32>,
      }
      %while3A_405 = arith.constant 1 : i32
      scf.for %while3A_406 = %while3A_403 to %while3A_399 step %while3A_405  : i32 {
        %broadcast_in_dim3A = vector.broadcast %while3A_406 : i32 to vector<16xi32>
        %add3A_407 = arith.addi %get3A_379, %broadcast_in_dim3A : vector<16xi32>
        %gather3A = arith.constant 0 : i32
        %gather3A_408 = arith.constant 0 : i32
        %gather3A_409 = tpu.memref_slice %arg10[%while3A_138, %gather3A, %gather3A_408] : memref<2x128x128xf32, #tpu.memory_space<vmem>> -> memref<1x128x128xf32, #tpu.memory_space<vmem>>
        %gather3A_410 = tpu.memref_squeeze %gather3A_409 : memref<1x128x128xf32, #tpu.memory_space<vmem>> -> memref<128x128xf32, #tpu.memory_space<vmem>>
        %gather3A_411 = tpu.vector_load_idx %gather3A_410[%add3A_374, %add3A_407] : memref<128x128xf32, #tpu.memory_space<vmem>>[vector<16xi32>, vector<16xi32>], vector<16xf32>,
        %add3A_412 = arith.addi %get3A_385, %broadcast_in_dim3A : vector<16xi32>
        %gather3A_413 = arith.constant 0 : i32
        %gather3A_414 = arith.constant 0 : i32
        %gather3A_415 = tpu.memref_slice %arg11[%while3A_138, %gather3A_413, %gather3A_414] : memref<2x128x128xf32, #tpu.memory_space<vmem>> -> memref<1x128x128xf32, #tpu.memory_space<vmem>>
        %gather3A_416 = tpu.memref_squeeze %gather3A_415 : memref<1x128x128xf32, #tpu.memory_space<vmem>> -> memref<128x128xf32, #tpu.memory_space<vmem>>
        %gather3A_417 = tpu.vector_load_idx %gather3A_416[%add3A_374, %add3A_412] : memref<128x128xf32, #tpu.memory_space<vmem>>[vector<16xi32>, vector<16xi32>], vector<16xf32>,
        %add3A_418 = arith.addi %shift_left3A_394, %broadcast_in_dim3A : vector<16xi32>
        %mul3A_419 = arith.mulf %gather3A_411, %get3A_27 : vector<16xf32>
        %mul3A_420 = arith.mulf %gather3A_417, %get3A_29 : vector<16xf32>
        %add3A_421 = arith.addf %mul3A_419, %mul3A_420 : vector<16xf32>
        tpu.vector_store_idx %arg12[%shift_right_arithmetic3A_390, %add3A_418], %add3A_421 : memref<128x128xf32, #tpu.memory_space<vmem>>[vector<16xi32>, vector<16xi32>], vector<16xf32>,
      }
    }
    %dma_start3A_149 = arith.constant 0 : i32
    %dma_start3A_150 = arith.constant 0 : i32
    %dma_start3A_151 = arith.constant 2 : i32
    %dma_start3A_152 = arith.constant 0 : i32
    %dma_start3A_153 = arith.constant 0 : i32
    %dma_start3A_154 = arith.constant 0 : i32
    %dma_start3A_155 = tpu.memref_slice %arg10[%dma_start3A_152, %dma_start3A_153, %dma_start3A_154] : memref<2x128x128xf32, #tpu.memory_space<vmem>> -> memref<1x128x128xf32, #tpu.memory_space<vmem>>
    %dma_start3A_156 = tpu.memref_squeeze %dma_start3A_155 : memref<1x128x128xf32, #tpu.memory_space<vmem>> -> memref<128x128xf32, #tpu.memory_space<vmem>>
    %dma_start3A_157 = arith.constant 0 : i32
    %dma_start3A_158 = tpu.memref_slice %arg8[%dma_start3A_150, %dma_start3A_151, %dma_start3A_157] : memref<2x4x128xi32, #tpu.memory_space<vmem>> -> memref<1x1x128xi32, #tpu.memory_space<vmem>>
    %dma_start3A_159 = tpu.memref_squeeze %dma_start3A_158 : memref<1x1x128xi32, #tpu.memory_space<vmem>> -> memref<128xi32, #tpu.memory_space<vmem>>
    %dma_start3A_160 = arith.constant 0 : i32
    %dma_start3A_161 = arith.constant 0 : i32
    %dma_start3A_162 = tpu.memref_slice %arg2[%dma_start3A_149, %dma_start3A_160, %dma_start3A_161] : memref<2x250000x128xf32, #tpu.memory_space<hbm>> -> memref<1x250000x128xf32, #tpu.memory_space<hbm>>
    %dma_start3A_163 = tpu.memref_squeeze %dma_start3A_162 : memref<1x250000x128xf32, #tpu.memory_space<hbm>> -> memref<250000x128xf32, #tpu.memory_space<hbm>>
    %dma_start3A_164 = arith.constant 0 : i32
    %dma_start3A_165 = arith.constant 0 : i32
    %dma_start3A_166 = tpu.memref_slice %dma_start3A_163[%dma_start3A_164, %dma_start3A_165] : memref<250000x128xf32, #tpu.memory_space<hbm>> -> memref<250000x128xf32, #tpu.memory_space<hbm>>
    tpu.enqueue_indirect_dma source(%dma_start3A_166 : memref<250000x128xf32, #tpu.memory_space<hbm>>) target(%dma_start3A_156 : memref<128x128xf32, #tpu.memory_space<vmem>>) offsets(%dma_start3A_159 : memref<128xi32, #tpu.memory_space<vmem>>) semaphore(%arg15 : memref<!tpu.dma_semaphore, #tpu.memory_space<semaphore_mem>>)
    %dma_start3A_167 = arith.constant 1 : i32
    %dma_start3A_168 = arith.constant 1 : i32
    %dma_start3A_169 = arith.constant 2 : i32
    %dma_start3A_170 = arith.constant 0 : i32
    %dma_start3A_171 = arith.constant 0 : i32
    %dma_start3A_172 = arith.constant 0 : i32
    %dma_start3A_173 = tpu.memref_slice %arg11[%dma_start3A_170, %dma_start3A_171, %dma_start3A_172] : memref<2x128x128xf32, #tpu.memory_space<vmem>> -> memref<1x128x128xf32, #tpu.memory_space<vmem>>
    %dma_start3A_174 = tpu.memref_squeeze %dma_start3A_173 : memref<1x128x128xf32, #tpu.memory_space<vmem>> -> memref<128x128xf32, #tpu.memory_space<vmem>>
    %dma_start3A_175 = arith.constant 0 : i32
    %dma_start3A_176 = tpu.memref_slice %arg8[%dma_start3A_168, %dma_start3A_169, %dma_start3A_175] : memref<2x4x128xi32, #tpu.memory_space<vmem>> -> memref<1x1x128xi32, #tpu.memory_space<vmem>>
    %dma_start3A_177 = tpu.memref_squeeze %dma_start3A_176 : memref<1x1x128xi32, #tpu.memory_space<vmem>> -> memref<128xi32, #tpu.memory_space<vmem>>
    %dma_start3A_178 = arith.constant 0 : i32
    %dma_start3A_179 = arith.constant 0 : i32
    %dma_start3A_180 = tpu.memref_slice %arg2[%dma_start3A_167, %dma_start3A_178, %dma_start3A_179] : memref<2x250000x128xf32, #tpu.memory_space<hbm>> -> memref<1x250000x128xf32, #tpu.memory_space<hbm>>
    %dma_start3A_181 = tpu.memref_squeeze %dma_start3A_180 : memref<1x250000x128xf32, #tpu.memory_space<hbm>> -> memref<250000x128xf32, #tpu.memory_space<hbm>>
    %dma_start3A_182 = arith.constant 0 : i32
    %dma_start3A_183 = arith.constant 0 : i32
    %dma_start3A_184 = tpu.memref_slice %dma_start3A_181[%dma_start3A_182, %dma_start3A_183] : memref<250000x128xf32, #tpu.memory_space<hbm>> -> memref<250000x128xf32, #tpu.memory_space<hbm>>
    tpu.enqueue_indirect_dma source(%dma_start3A_184 : memref<250000x128xf32, #tpu.memory_space<hbm>>) target(%dma_start3A_174 : memref<128x128xf32, #tpu.memory_space<vmem>>) offsets(%dma_start3A_177 : memref<128xi32, #tpu.memory_space<vmem>>) semaphore(%arg15 : memref<!tpu.dma_semaphore, #tpu.memory_space<semaphore_mem>>)
    %dma_wait3A_185 = arith.constant 0 : i32
    %dma_wait3A_186 = arith.constant 0 : i32
    %dma_wait3A_187 = arith.constant 1 : i32
    %dma_wait3A_188 = arith.constant 1 : i32
    %dma_wait3A_189 = arith.constant 0 : i32
    %dma_wait3A_190 = arith.constant 0 : i32
    %dma_wait3A_191 = tpu.memref_slice %arg10[%dma_wait3A_188, %dma_wait3A_189, %dma_wait3A_190] : memref<2x128x128xf32, #tpu.memory_space<vmem>> -> memref<1x128x128xf32, #tpu.memory_space<vmem>>
    %dma_wait3A_192 = tpu.memref_squeeze %dma_wait3A_191 : memref<1x128x128xf32, #tpu.memory_space<vmem>> -> memref<128x128xf32, #tpu.memory_space<vmem>>
    %dma_wait3A_193 = arith.constant 0 : i32
    %dma_wait3A_194 = tpu.memref_slice %arg8[%dma_wait3A_186, %dma_wait3A_187, %dma_wait3A_193] : memref<2x4x128xi32, #tpu.memory_space<vmem>> -> memref<1x1x128xi32, #tpu.memory_space<vmem>>
    %dma_wait3A_195 = tpu.memref_squeeze %dma_wait3A_194 : memref<1x1x128xi32, #tpu.memory_space<vmem>> -> memref<128xi32, #tpu.memory_space<vmem>>
    %dma_wait3A_196 = arith.constant 0 : i32
    %dma_wait3A_197 = arith.constant 0 : i32
    %dma_wait3A_198 = tpu.memref_slice %arg2[%dma_wait3A_185, %dma_wait3A_196, %dma_wait3A_197] : memref<2x250000x128xf32, #tpu.memory_space<hbm>> -> memref<1x250000x128xf32, #tpu.memory_space<hbm>>
    %dma_wait3A_199 = tpu.memref_squeeze %dma_wait3A_198 : memref<1x250000x128xf32, #tpu.memory_space<hbm>> -> memref<250000x128xf32, #tpu.memory_space<hbm>>
    %dma_wait3A_200 = arith.constant 0 : i32
    %dma_wait3A_201 = arith.constant 0 : i32
    %dma_wait3A_202 = tpu.memref_slice %dma_wait3A_199[%dma_wait3A_200, %dma_wait3A_201] : memref<250000x128xf32, #tpu.memory_space<hbm>> -> memref<250000x128xf32, #tpu.memory_space<hbm>>
    tpu.wait_indirect_dma semaphore(%arg16 : memref<!tpu.dma_semaphore, #tpu.memory_space<semaphore_mem>>) src(%dma_wait3A_202 : memref<250000x128xf32, #tpu.memory_space<hbm>>) dst(%dma_wait3A_192 : memref<128x128xf32, #tpu.memory_space<vmem>>)
    %dma_wait3A_203 = arith.constant 1 : i32
    %dma_wait3A_204 = arith.constant 1 : i32
    %dma_wait3A_205 = arith.constant 1 : i32
    %dma_wait3A_206 = arith.constant 1 : i32
    %dma_wait3A_207 = arith.constant 0 : i32
    %dma_wait3A_208 = arith.constant 0 : i32
    %dma_wait3A_209 = tpu.memref_slice %arg11[%dma_wait3A_206, %dma_wait3A_207, %dma_wait3A_208] : memref<2x128x128xf32, #tpu.memory_space<vmem>> -> memref<1x128x128xf32, #tpu.memory_space<vmem>>
    %dma_wait3A_210 = tpu.memref_squeeze %dma_wait3A_209 : memref<1x128x128xf32, #tpu.memory_space<vmem>> -> memref<128x128xf32, #tpu.memory_space<vmem>>
    %dma_wait3A_211 = arith.constant 0 : i32
    %dma_wait3A_212 = tpu.memref_slice %arg8[%dma_wait3A_204, %dma_wait3A_205, %dma_wait3A_211] : memref<2x4x128xi32, #tpu.memory_space<vmem>> -> memref<1x1x128xi32, #tpu.memory_space<vmem>>
    %dma_wait3A_213 = tpu.memref_squeeze %dma_wait3A_212 : memref<1x1x128xi32, #tpu.memory_space<vmem>> -> memref<128xi32, #tpu.memory_space<vmem>>
    %dma_wait3A_214 = arith.constant 0 : i32
    %dma_wait3A_215 = arith.constant 0 : i32
    %dma_wait3A_216 = tpu.memref_slice %arg2[%dma_wait3A_203, %dma_wait3A_214, %dma_wait3A_215] : memref<2x250000x128xf32, #tpu.memory_space<hbm>> -> memref<1x250000x128xf32, #tpu.memory_space<hbm>>
    %dma_wait3A_217 = tpu.memref_squeeze %dma_wait3A_216 : memref<1x250000x128xf32, #tpu.memory_space<hbm>> -> memref<250000x128xf32, #tpu.memory_space<hbm>>
    %dma_wait3A_218 = arith.constant 0 : i32
    %dma_wait3A_219 = arith.constant 0 : i32
    %dma_wait3A_220 = tpu.memref_slice %dma_wait3A_217[%dma_wait3A_218, %dma_wait3A_219] : memref<250000x128xf32, #tpu.memory_space<hbm>> -> memref<250000x128xf32, #tpu.memory_space<hbm>>
    tpu.wait_indirect_dma semaphore(%arg16 : memref<!tpu.dma_semaphore, #tpu.memory_space<semaphore_mem>>) src(%dma_wait3A_220 : memref<250000x128xf32, #tpu.memory_space<hbm>>) dst(%dma_wait3A_210 : memref<128x128xf32, #tpu.memory_space<vmem>>)
    %while3A_221 = arith.constant 0 : i64
    %while3A_222 = arith.constant 1 : i32
    %while3A_223 = arith.constant 1 : i32
    %while3A_224 = arith.constant 0 : i32
    %while3A_225 = arith.constant 8 : i32
    %while3A_226 = arith.subi %while3A_225, %while3A_224 : i32
    %while3A_227 = arith.addi %while3A_224, %while3A_226 : i32
    %while3A_228 = arith.constant 1 : i32
    %while3A_229 = arith.divsi %while3A_226, %while3A_228 : i32
    %while3A_230 = arith.muli %while3A_229, %while3A_228 : i32
    %while3A_231 = arith.addi %while3A_224, %while3A_230 : i32
    %while3A_232 = arith.constant 1 : i32
    scf.for %while3A_370 = %while3A_224 to %while3A_231 step %while3A_232  : i32 {
      %mul3A_371 = arith.constant 16 : i32
      %mul3A_372 = arith.muli %while3A_370, %mul3A_371 : i32
      %iota3A = tpu.iota {dimensions = array<i32: 0>} : vector<16xi32>
      %add3A_373 = vector.broadcast %mul3A_372 : i32 to vector<16xi32>
      %add3A_374 = arith.addi %iota3A, %add3A_373 : vector<16xi32>
      %multiple_of3A = tpu.assume_multiple %mul3A_372, 16 : i32
      %get3A_375 = arith.constant 0 : i64
      %get3A_376 = arith.index_cast %get3A_375 : i64 to index
      %get3A_377 = arith.index_cast %while3A_222 : i32 to index
      %get3A_378 = arith.index_cast %multiple_of3A : i32 to index
      %get3A_379 = tpu.vector_load %arg9[%get3A_376, %get3A_377, %get3A_378] {strides = array<i32>} : memref<2x4x128xi32, #tpu.memory_space<vmem>>, vector<16xi32>,
      %multiple_of3A_380 = tpu.assume_multiple %mul3A_372, 16 : i32
      %get3A_381 = arith.constant 1 : i64
      %get3A_382 = arith.index_cast %get3A_381 : i64 to index
      %get3A_383 = arith.index_cast %while3A_222 : i32 to index
      %get3A_384 = arith.index_cast %multiple_of3A_380 : i32 to index
      %get3A_385 = tpu.vector_load %arg9[%get3A_382, %get3A_383, %get3A_384] {strides = array<i32>} : memref<2x4x128xi32, #tpu.memory_space<vmem>>, vector<16xi32>,
      %add3A_386 = arith.constant 128 : i32
      %add3A_387 = vector.broadcast %add3A_386 : i32 to vector<16xi32>
      %add3A_388 = arith.addi %add3A_374, %add3A_387 : vector<16xi32>
      %shift_right_arithmetic3A = arith.constant 2 : i32
      %shift_right_arithmetic3A_389 = vector.broadcast %shift_right_arithmetic3A : i32 to vector<16xi32>
      %shift_right_arithmetic3A_390 = arith.shrsi %add3A_388, %shift_right_arithmetic3A_389 : vector<16xi32>
      %and3A = arith.constant 3 : i32
      %and3A_391 = vector.broadcast %and3A : i32 to vector<16xi32>
      %and3A_392 = arith.andi %add3A_374, %and3A_391 : vector<16xi32>
      %shift_left3A = arith.constant 5 : i32
      %shift_left3A_393 = vector.broadcast %shift_left3A : i32 to vector<16xi32>
      %shift_left3A_394 = arith.shli %and3A_392, %shift_left3A_393 : vector<16xi32>
      %while3A_395 = arith.constant 0 : i64
      %while3A_396 = arith.constant 0 : i32
      %while3A_397 = arith.constant 32 : i32
      %while3A_398 = arith.subi %while3A_397, %while3A_396 : i32
      %while3A_399 = arith.addi %while3A_396, %while3A_398 : i32
      %while3A_400 = arith.constant 1 : i32
      %while3A_401 = arith.divsi %while3A_398, %while3A_400 : i32
      %while3A_402 = arith.muli %while3A_401, %while3A_400 : i32
      %while3A_403 = arith.addi %while3A_396, %while3A_402 : i32
      %while3A_404 = arith.constant 1 : i32
      scf.for %while3A_406 = %while3A_396 to %while3A_403 step %while3A_404  : i32 {
        %broadcast_in_dim3A = vector.broadcast %while3A_406 : i32 to vector<16xi32>
        %add3A_407 = arith.addi %get3A_379, %broadcast_in_dim3A : vector<16xi32>
        %gather3A = arith.constant 0 : i32
        %gather3A_408 = arith.constant 0 : i32
        %gather3A_409 = tpu.memref_slice %arg10[%while3A_223, %gather3A, %gather3A_408] : memref<2x128x128xf32, #tpu.memory_space<vmem>> -> memref<1x128x128xf32, #tpu.memory_space<vmem>>
        %gather3A_410 = tpu.memref_squeeze %gather3A_409 : memref<1x128x128xf32, #tpu.memory_space<vmem>> -> memref<128x128xf32, #tpu.memory_space<vmem>>
        %gather3A_411 = tpu.vector_load_idx %gather3A_410[%add3A_374, %add3A_407] : memref<128x128xf32, #tpu.memory_space<vmem>>[vector<16xi32>, vector<16xi32>], vector<16xf32>,
        %add3A_412 = arith.addi %get3A_385, %broadcast_in_dim3A : vector<16xi32>
        %gather3A_413 = arith.constant 0 : i32
        %gather3A_414 = arith.constant 0 : i32
        %gather3A_415 = tpu.memref_slice %arg11[%while3A_223, %gather3A_413, %gather3A_414] : memref<2x128x128xf32, #tpu.memory_space<vmem>> -> memref<1x128x128xf32, #tpu.memory_space<vmem>>
        %gather3A_416 = tpu.memref_squeeze %gather3A_415 : memref<1x128x128xf32, #tpu.memory_space<vmem>> -> memref<128x128xf32, #tpu.memory_space<vmem>>
        %gather3A_417 = tpu.vector_load_idx %gather3A_416[%add3A_374, %add3A_412] : memref<128x128xf32, #tpu.memory_space<vmem>>[vector<16xi32>, vector<16xi32>], vector<16xf32>,
        %add3A_418 = arith.addi %shift_left3A_394, %broadcast_in_dim3A : vector<16xi32>
        %mul3A_419 = arith.mulf %gather3A_411, %get3A_27 : vector<16xf32>
        %mul3A_420 = arith.mulf %gather3A_417, %get3A_29 : vector<16xf32>
        %add3A_421 = arith.addf %mul3A_419, %mul3A_420 : vector<16xf32>
        tpu.vector_store_idx %arg12[%shift_right_arithmetic3A_390, %add3A_418], %add3A_421 : memref<128x128xf32, #tpu.memory_space<vmem>>[vector<16xi32>, vector<16xi32>], vector<16xf32>,
      }
      %while3A_405 = arith.constant 1 : i32
      scf.for %while3A_406 = %while3A_403 to %while3A_399 step %while3A_405  : i32 {
        %broadcast_in_dim3A = vector.broadcast %while3A_406 : i32 to vector<16xi32>
        %add3A_407 = arith.addi %get3A_379, %broadcast_in_dim3A : vector<16xi32>
        %gather3A = arith.constant 0 : i32
        %gather3A_408 = arith.constant 0 : i32
        %gather3A_409 = tpu.memref_slice %arg10[%while3A_223, %gather3A, %gather3A_408] : memref<2x128x128xf32, #tpu.memory_space<vmem>> -> memref<1x128x128xf32, #tpu.memory_space<vmem>>
        %gather3A_410 = tpu.memref_squeeze %gather3A_409 : memref<1x128x128xf32, #tpu.memory_space<vmem>> -> memref<128x128xf32, #tpu.memory_space<vmem>>
        %gather3A_411 = tpu.vector_load_idx %gather3A_410[%add3A_374, %add3A_407] : memref<128x128xf32, #tpu.memory_space<vmem>>[vector<16xi32>, vector<16xi32>], vector<16xf32>,
        %add3A_412 = arith.addi %get3A_385, %broadcast_in_dim3A : vector<16xi32>
        %gather3A_413 = arith.constant 0 : i32
        %gather3A_414 = arith.constant 0 : i32
        %gather3A_415 = tpu.memref_slice %arg11[%while3A_223, %gather3A_413, %gather3A_414] : memref<2x128x128xf32, #tpu.memory_space<vmem>> -> memref<1x128x128xf32, #tpu.memory_space<vmem>>
        %gather3A_416 = tpu.memref_squeeze %gather3A_415 : memref<1x128x128xf32, #tpu.memory_space<vmem>> -> memref<128x128xf32, #tpu.memory_space<vmem>>
        %gather3A_417 = tpu.vector_load_idx %gather3A_416[%add3A_374, %add3A_412] : memref<128x128xf32, #tpu.memory_space<vmem>>[vector<16xi32>, vector<16xi32>], vector<16xf32>,
        %add3A_418 = arith.addi %shift_left3A_394, %broadcast_in_dim3A : vector<16xi32>
        %mul3A_419 = arith.mulf %gather3A_411, %get3A_27 : vector<16xf32>
        %mul3A_420 = arith.mulf %gather3A_417, %get3A_29 : vector<16xf32>
        %add3A_421 = arith.addf %mul3A_419, %mul3A_420 : vector<16xf32>
        tpu.vector_store_idx %arg12[%shift_right_arithmetic3A_390, %add3A_418], %add3A_421 : memref<128x128xf32, #tpu.memory_space<vmem>>[vector<16xi32>, vector<16xi32>], vector<16xf32>,
      }
    }
    %while3A_233 = arith.constant 1 : i32
    scf.for %while3A_370 = %while3A_231 to %while3A_227 step %while3A_233  : i32 {
      %mul3A_371 = arith.constant 16 : i32
      %mul3A_372 = arith.muli %while3A_370, %mul3A_371 : i32
      %iota3A = tpu.iota {dimensions = array<i32: 0>} : vector<16xi32>
      %add3A_373 = vector.broadcast %mul3A_372 : i32 to vector<16xi32>
      %add3A_374 = arith.addi %iota3A, %add3A_373 : vector<16xi32>
      %multiple_of3A = tpu.assume_multiple %mul3A_372, 16 : i32
      %get3A_375 = arith.constant 0 : i64
      %get3A_376 = arith.index_cast %get3A_375 : i64 to index
      %get3A_377 = arith.index_cast %while3A_222 : i32 to index
      %get3A_378 = arith.index_cast %multiple_of3A : i32 to index
      %get3A_379 = tpu.vector_load %arg9[%get3A_376, %get3A_377, %get3A_378] {strides = array<i32>} : memref<2x4x128xi32, #tpu.memory_space<vmem>>, vector<16xi32>,
      %multiple_of3A_380 = tpu.assume_multiple %mul3A_372, 16 : i32
      %get3A_381 = arith.constant 1 : i64
      %get3A_382 = arith.index_cast %get3A_381 : i64 to index
      %get3A_383 = arith.index_cast %while3A_222 : i32 to index
      %get3A_384 = arith.index_cast %multiple_of3A_380 : i32 to index
      %get3A_385 = tpu.vector_load %arg9[%get3A_382, %get3A_383, %get3A_384] {strides = array<i32>} : memref<2x4x128xi32, #tpu.memory_space<vmem>>, vector<16xi32>,
      %add3A_386 = arith.constant 128 : i32
      %add3A_387 = vector.broadcast %add3A_386 : i32 to vector<16xi32>
      %add3A_388 = arith.addi %add3A_374, %add3A_387 : vector<16xi32>
      %shift_right_arithmetic3A = arith.constant 2 : i32
      %shift_right_arithmetic3A_389 = vector.broadcast %shift_right_arithmetic3A : i32 to vector<16xi32>
      %shift_right_arithmetic3A_390 = arith.shrsi %add3A_388, %shift_right_arithmetic3A_389 : vector<16xi32>
      %and3A = arith.constant 3 : i32
      %and3A_391 = vector.broadcast %and3A : i32 to vector<16xi32>
      %and3A_392 = arith.andi %add3A_374, %and3A_391 : vector<16xi32>
      %shift_left3A = arith.constant 5 : i32
      %shift_left3A_393 = vector.broadcast %shift_left3A : i32 to vector<16xi32>
      %shift_left3A_394 = arith.shli %and3A_392, %shift_left3A_393 : vector<16xi32>
      %while3A_395 = arith.constant 0 : i64
      %while3A_396 = arith.constant 0 : i32
      %while3A_397 = arith.constant 32 : i32
      %while3A_398 = arith.subi %while3A_397, %while3A_396 : i32
      %while3A_399 = arith.addi %while3A_396, %while3A_398 : i32
      %while3A_400 = arith.constant 1 : i32
      %while3A_401 = arith.divsi %while3A_398, %while3A_400 : i32
      %while3A_402 = arith.muli %while3A_401, %while3A_400 : i32
      %while3A_403 = arith.addi %while3A_396, %while3A_402 : i32
      %while3A_404 = arith.constant 1 : i32
      scf.for %while3A_406 = %while3A_396 to %while3A_403 step %while3A_404  : i32 {
        %broadcast_in_dim3A = vector.broadcast %while3A_406 : i32 to vector<16xi32>
        %add3A_407 = arith.addi %get3A_379, %broadcast_in_dim3A : vector<16xi32>
        %gather3A = arith.constant 0 : i32
        %gather3A_408 = arith.constant 0 : i32
        %gather3A_409 = tpu.memref_slice %arg10[%while3A_223, %gather3A, %gather3A_408] : memref<2x128x128xf32, #tpu.memory_space<vmem>> -> memref<1x128x128xf32, #tpu.memory_space<vmem>>
        %gather3A_410 = tpu.memref_squeeze %gather3A_409 : memref<1x128x128xf32, #tpu.memory_space<vmem>> -> memref<128x128xf32, #tpu.memory_space<vmem>>
        %gather3A_411 = tpu.vector_load_idx %gather3A_410[%add3A_374, %add3A_407] : memref<128x128xf32, #tpu.memory_space<vmem>>[vector<16xi32>, vector<16xi32>], vector<16xf32>,
        %add3A_412 = arith.addi %get3A_385, %broadcast_in_dim3A : vector<16xi32>
        %gather3A_413 = arith.constant 0 : i32
        %gather3A_414 = arith.constant 0 : i32
        %gather3A_415 = tpu.memref_slice %arg11[%while3A_223, %gather3A_413, %gather3A_414] : memref<2x128x128xf32, #tpu.memory_space<vmem>> -> memref<1x128x128xf32, #tpu.memory_space<vmem>>
        %gather3A_416 = tpu.memref_squeeze %gather3A_415 : memref<1x128x128xf32, #tpu.memory_space<vmem>> -> memref<128x128xf32, #tpu.memory_space<vmem>>
        %gather3A_417 = tpu.vector_load_idx %gather3A_416[%add3A_374, %add3A_412] : memref<128x128xf32, #tpu.memory_space<vmem>>[vector<16xi32>, vector<16xi32>], vector<16xf32>,
        %add3A_418 = arith.addi %shift_left3A_394, %broadcast_in_dim3A : vector<16xi32>
        %mul3A_419 = arith.mulf %gather3A_411, %get3A_27 : vector<16xf32>
        %mul3A_420 = arith.mulf %gather3A_417, %get3A_29 : vector<16xf32>
        %add3A_421 = arith.addf %mul3A_419, %mul3A_420 : vector<16xf32>
        tpu.vector_store_idx %arg12[%shift_right_arithmetic3A_390, %add3A_418], %add3A_421 : memref<128x128xf32, #tpu.memory_space<vmem>>[vector<16xi32>, vector<16xi32>], vector<16xf32>,
      }
      %while3A_405 = arith.constant 1 : i32
      scf.for %while3A_406 = %while3A_403 to %while3A_399 step %while3A_405  : i32 {
        %broadcast_in_dim3A = vector.broadcast %while3A_406 : i32 to vector<16xi32>
        %add3A_407 = arith.addi %get3A_379, %broadcast_in_dim3A : vector<16xi32>
        %gather3A = arith.constant 0 : i32
        %gather3A_408 = arith.constant 0 : i32
        %gather3A_409 = tpu.memref_slice %arg10[%while3A_223, %gather3A, %gather3A_408] : memref<2x128x128xf32, #tpu.memory_space<vmem>> -> memref<1x128x128xf32, #tpu.memory_space<vmem>>
        %gather3A_410 = tpu.memref_squeeze %gather3A_409 : memref<1x128x128xf32, #tpu.memory_space<vmem>> -> memref<128x128xf32, #tpu.memory_space<vmem>>
        %gather3A_411 = tpu.vector_load_idx %gather3A_410[%add3A_374, %add3A_407] : memref<128x128xf32, #tpu.memory_space<vmem>>[vector<16xi32>, vector<16xi32>], vector<16xf32>,
        %add3A_412 = arith.addi %get3A_385, %broadcast_in_dim3A : vector<16xi32>
        %gather3A_413 = arith.constant 0 : i32
        %gather3A_414 = arith.constant 0 : i32
        %gather3A_415 = tpu.memref_slice %arg11[%while3A_223, %gather3A_413, %gather3A_414] : memref<2x128x128xf32, #tpu.memory_space<vmem>> -> memref<1x128x128xf32, #tpu.memory_space<vmem>>
        %gather3A_416 = tpu.memref_squeeze %gather3A_415 : memref<1x128x128xf32, #tpu.memory_space<vmem>> -> memref<128x128xf32, #tpu.memory_space<vmem>>
        %gather3A_417 = tpu.vector_load_idx %gather3A_416[%add3A_374, %add3A_412] : memref<128x128xf32, #tpu.memory_space<vmem>>[vector<16xi32>, vector<16xi32>], vector<16xf32>,
        %add3A_418 = arith.addi %shift_left3A_394, %broadcast_in_dim3A : vector<16xi32>
        %mul3A_419 = arith.mulf %gather3A_411, %get3A_27 : vector<16xf32>
        %mul3A_420 = arith.mulf %gather3A_417, %get3A_29 : vector<16xf32>
        %add3A_421 = arith.addf %mul3A_419, %mul3A_420 : vector<16xf32>
        tpu.vector_store_idx %arg12[%shift_right_arithmetic3A_390, %add3A_418], %add3A_421 : memref<128x128xf32, #tpu.memory_space<vmem>>[vector<16xi32>, vector<16xi32>], vector<16xf32>,
      }
    }
    %dma_start3A_234 = arith.constant 0 : i32
    %dma_start3A_235 = arith.constant 0 : i32
    %dma_start3A_236 = arith.constant 3 : i32
    %dma_start3A_237 = arith.constant 1 : i32
    %dma_start3A_238 = arith.constant 0 : i32
    %dma_start3A_239 = arith.constant 0 : i32
    %dma_start3A_240 = tpu.memref_slice %arg10[%dma_start3A_237, %dma_start3A_238, %dma_start3A_239] : memref<2x128x128xf32, #tpu.memory_space<vmem>> -> memref<1x128x128xf32, #tpu.memory_space<vmem>>
    %dma_start3A_241 = tpu.memref_squeeze %dma_start3A_240 : memref<1x128x128xf32, #tpu.memory_space<vmem>> -> memref<128x128xf32, #tpu.memory_space<vmem>>
    %dma_start3A_242 = arith.constant 0 : i32
    %dma_start3A_243 = tpu.memref_slice %arg8[%dma_start3A_235, %dma_start3A_236, %dma_start3A_242] : memref<2x4x128xi32, #tpu.memory_space<vmem>> -> memref<1x1x128xi32, #tpu.memory_space<vmem>>
    %dma_start3A_244 = tpu.memref_squeeze %dma_start3A_243 : memref<1x1x128xi32, #tpu.memory_space<vmem>> -> memref<128xi32, #tpu.memory_space<vmem>>
    %dma_start3A_245 = arith.constant 0 : i32
    %dma_start3A_246 = arith.constant 0 : i32
    %dma_start3A_247 = tpu.memref_slice %arg2[%dma_start3A_234, %dma_start3A_245, %dma_start3A_246] : memref<2x250000x128xf32, #tpu.memory_space<hbm>> -> memref<1x250000x128xf32, #tpu.memory_space<hbm>>
    %dma_start3A_248 = tpu.memref_squeeze %dma_start3A_247 : memref<1x250000x128xf32, #tpu.memory_space<hbm>> -> memref<250000x128xf32, #tpu.memory_space<hbm>>
    %dma_start3A_249 = arith.constant 0 : i32
    %dma_start3A_250 = arith.constant 0 : i32
    %dma_start3A_251 = tpu.memref_slice %dma_start3A_248[%dma_start3A_249, %dma_start3A_250] : memref<250000x128xf32, #tpu.memory_space<hbm>> -> memref<250000x128xf32, #tpu.memory_space<hbm>>
    tpu.enqueue_indirect_dma source(%dma_start3A_251 : memref<250000x128xf32, #tpu.memory_space<hbm>>) target(%dma_start3A_241 : memref<128x128xf32, #tpu.memory_space<vmem>>) offsets(%dma_start3A_244 : memref<128xi32, #tpu.memory_space<vmem>>) semaphore(%arg16 : memref<!tpu.dma_semaphore, #tpu.memory_space<semaphore_mem>>)
    %dma_start3A_252 = arith.constant 1 : i32
    %dma_start3A_253 = arith.constant 1 : i32
    %dma_start3A_254 = arith.constant 3 : i32
    %dma_start3A_255 = arith.constant 1 : i32
    %dma_start3A_256 = arith.constant 0 : i32
    %dma_start3A_257 = arith.constant 0 : i32
    %dma_start3A_258 = tpu.memref_slice %arg11[%dma_start3A_255, %dma_start3A_256, %dma_start3A_257] : memref<2x128x128xf32, #tpu.memory_space<vmem>> -> memref<1x128x128xf32, #tpu.memory_space<vmem>>
    %dma_start3A_259 = tpu.memref_squeeze %dma_start3A_258 : memref<1x128x128xf32, #tpu.memory_space<vmem>> -> memref<128x128xf32, #tpu.memory_space<vmem>>
    %dma_start3A_260 = arith.constant 0 : i32
    %dma_start3A_261 = tpu.memref_slice %arg8[%dma_start3A_253, %dma_start3A_254, %dma_start3A_260] : memref<2x4x128xi32, #tpu.memory_space<vmem>> -> memref<1x1x128xi32, #tpu.memory_space<vmem>>
    %dma_start3A_262 = tpu.memref_squeeze %dma_start3A_261 : memref<1x1x128xi32, #tpu.memory_space<vmem>> -> memref<128xi32, #tpu.memory_space<vmem>>
    %dma_start3A_263 = arith.constant 0 : i32
    %dma_start3A_264 = arith.constant 0 : i32
    %dma_start3A_265 = tpu.memref_slice %arg2[%dma_start3A_252, %dma_start3A_263, %dma_start3A_264] : memref<2x250000x128xf32, #tpu.memory_space<hbm>> -> memref<1x250000x128xf32, #tpu.memory_space<hbm>>
    %dma_start3A_266 = tpu.memref_squeeze %dma_start3A_265 : memref<1x250000x128xf32, #tpu.memory_space<hbm>> -> memref<250000x128xf32, #tpu.memory_space<hbm>>
    %dma_start3A_267 = arith.constant 0 : i32
    %dma_start3A_268 = arith.constant 0 : i32
    %dma_start3A_269 = tpu.memref_slice %dma_start3A_266[%dma_start3A_267, %dma_start3A_268] : memref<250000x128xf32, #tpu.memory_space<hbm>> -> memref<250000x128xf32, #tpu.memory_space<hbm>>
    tpu.enqueue_indirect_dma source(%dma_start3A_269 : memref<250000x128xf32, #tpu.memory_space<hbm>>) target(%dma_start3A_259 : memref<128x128xf32, #tpu.memory_space<vmem>>) offsets(%dma_start3A_262 : memref<128xi32, #tpu.memory_space<vmem>>) semaphore(%arg16 : memref<!tpu.dma_semaphore, #tpu.memory_space<semaphore_mem>>)
    %dma_wait3A_270 = arith.constant 0 : i32
    %dma_wait3A_271 = arith.constant 0 : i32
    %dma_wait3A_272 = arith.constant 2 : i32
    %dma_wait3A_273 = arith.constant 0 : i32
    %dma_wait3A_274 = arith.constant 0 : i32
    %dma_wait3A_275 = arith.constant 0 : i32
    %dma_wait3A_276 = tpu.memref_slice %arg10[%dma_wait3A_273, %dma_wait3A_274, %dma_wait3A_275] : memref<2x128x128xf32, #tpu.memory_space<vmem>> -> memref<1x128x128xf32, #tpu.memory_space<vmem>>
    %dma_wait3A_277 = tpu.memref_squeeze %dma_wait3A_276 : memref<1x128x128xf32, #tpu.memory_space<vmem>> -> memref<128x128xf32, #tpu.memory_space<vmem>>
    %dma_wait3A_278 = arith.constant 0 : i32
    %dma_wait3A_279 = tpu.memref_slice %arg8[%dma_wait3A_271, %dma_wait3A_272, %dma_wait3A_278] : memref<2x4x128xi32, #tpu.memory_space<vmem>> -> memref<1x1x128xi32, #tpu.memory_space<vmem>>
    %dma_wait3A_280 = tpu.memref_squeeze %dma_wait3A_279 : memref<1x1x128xi32, #tpu.memory_space<vmem>> -> memref<128xi32, #tpu.memory_space<vmem>>
    %dma_wait3A_281 = arith.constant 0 : i32
    %dma_wait3A_282 = arith.constant 0 : i32
    %dma_wait3A_283 = tpu.memref_slice %arg2[%dma_wait3A_270, %dma_wait3A_281, %dma_wait3A_282] : memref<2x250000x128xf32, #tpu.memory_space<hbm>> -> memref<1x250000x128xf32, #tpu.memory_space<hbm>>
    %dma_wait3A_284 = tpu.memref_squeeze %dma_wait3A_283 : memref<1x250000x128xf32, #tpu.memory_space<hbm>> -> memref<250000x128xf32, #tpu.memory_space<hbm>>
    %dma_wait3A_285 = arith.constant 0 : i32
    %dma_wait3A_286 = arith.constant 0 : i32
    %dma_wait3A_287 = tpu.memref_slice %dma_wait3A_284[%dma_wait3A_285, %dma_wait3A_286] : memref<250000x128xf32, #tpu.memory_space<hbm>> -> memref<250000x128xf32, #tpu.memory_space<hbm>>
    tpu.wait_indirect_dma semaphore(%arg15 : memref<!tpu.dma_semaphore, #tpu.memory_space<semaphore_mem>>) src(%dma_wait3A_287 : memref<250000x128xf32, #tpu.memory_space<hbm>>) dst(%dma_wait3A_277 : memref<128x128xf32, #tpu.memory_space<vmem>>)
    %dma_wait3A_288 = arith.constant 1 : i32
    %dma_wait3A_289 = arith.constant 1 : i32
    %dma_wait3A_290 = arith.constant 2 : i32
    %dma_wait3A_291 = arith.constant 0 : i32
    %dma_wait3A_292 = arith.constant 0 : i32
    %dma_wait3A_293 = arith.constant 0 : i32
    %dma_wait3A_294 = tpu.memref_slice %arg11[%dma_wait3A_291, %dma_wait3A_292, %dma_wait3A_293] : memref<2x128x128xf32, #tpu.memory_space<vmem>> -> memref<1x128x128xf32, #tpu.memory_space<vmem>>
    %dma_wait3A_295 = tpu.memref_squeeze %dma_wait3A_294 : memref<1x128x128xf32, #tpu.memory_space<vmem>> -> memref<128x128xf32, #tpu.memory_space<vmem>>
    %dma_wait3A_296 = arith.constant 0 : i32
    %dma_wait3A_297 = tpu.memref_slice %arg8[%dma_wait3A_289, %dma_wait3A_290, %dma_wait3A_296] : memref<2x4x128xi32, #tpu.memory_space<vmem>> -> memref<1x1x128xi32, #tpu.memory_space<vmem>>
    %dma_wait3A_298 = tpu.memref_squeeze %dma_wait3A_297 : memref<1x1x128xi32, #tpu.memory_space<vmem>> -> memref<128xi32, #tpu.memory_space<vmem>>
    %dma_wait3A_299 = arith.constant 0 : i32
    %dma_wait3A_300 = arith.constant 0 : i32
    %dma_wait3A_301 = tpu.memref_slice %arg2[%dma_wait3A_288, %dma_wait3A_299, %dma_wait3A_300] : memref<2x250000x128xf32, #tpu.memory_space<hbm>> -> memref<1x250000x128xf32, #tpu.memory_space<hbm>>
    %dma_wait3A_302 = tpu.memref_squeeze %dma_wait3A_301 : memref<1x250000x128xf32, #tpu.memory_space<hbm>> -> memref<250000x128xf32, #tpu.memory_space<hbm>>
    %dma_wait3A_303 = arith.constant 0 : i32
    %dma_wait3A_304 = arith.constant 0 : i32
    %dma_wait3A_305 = tpu.memref_slice %dma_wait3A_302[%dma_wait3A_303, %dma_wait3A_304] : memref<250000x128xf32, #tpu.memory_space<hbm>> -> memref<250000x128xf32, #tpu.memory_space<hbm>>
    tpu.wait_indirect_dma semaphore(%arg15 : memref<!tpu.dma_semaphore, #tpu.memory_space<semaphore_mem>>) src(%dma_wait3A_305 : memref<250000x128xf32, #tpu.memory_space<hbm>>) dst(%dma_wait3A_295 : memref<128x128xf32, #tpu.memory_space<vmem>>)
    %while3A_306 = arith.constant 0 : i64
    %while3A_307 = arith.constant 2 : i32
    %while3A_308 = arith.constant 0 : i32
    %while3A_309 = arith.constant 0 : i32
    %while3A_310 = arith.constant 8 : i32
    %while3A_311 = arith.subi %while3A_310, %while3A_309 : i32
    %while3A_312 = arith.addi %while3A_309, %while3A_311 : i32
    %while3A_313 = arith.constant 1 : i32
    %while3A_314 = arith.divsi %while3A_311, %while3A_313 : i32
    %while3A_315 = arith.muli %while3A_314, %while3A_313 : i32
    %while3A_316 = arith.addi %while3A_309, %while3A_315 : i32
    %while3A_317 = arith.constant 1 : i32
    scf.for %while3A_370 = %while3A_309 to %while3A_316 step %while3A_317  : i32 {
      %mul3A_371 = arith.constant 16 : i32
      %mul3A_372 = arith.muli %while3A_370, %mul3A_371 : i32
      %iota3A = tpu.iota {dimensions = array<i32: 0>} : vector<16xi32>
      %add3A_373 = vector.broadcast %mul3A_372 : i32 to vector<16xi32>
      %add3A_374 = arith.addi %iota3A, %add3A_373 : vector<16xi32>
      %multiple_of3A = tpu.assume_multiple %mul3A_372, 16 : i32
      %get3A_375 = arith.constant 0 : i64
      %get3A_376 = arith.index_cast %get3A_375 : i64 to index
      %get3A_377 = arith.index_cast %while3A_307 : i32 to index
      %get3A_378 = arith.index_cast %multiple_of3A : i32 to index
      %get3A_379 = tpu.vector_load %arg9[%get3A_376, %get3A_377, %get3A_378] {strides = array<i32>} : memref<2x4x128xi32, #tpu.memory_space<vmem>>, vector<16xi32>,
      %multiple_of3A_380 = tpu.assume_multiple %mul3A_372, 16 : i32
      %get3A_381 = arith.constant 1 : i64
      %get3A_382 = arith.index_cast %get3A_381 : i64 to index
      %get3A_383 = arith.index_cast %while3A_307 : i32 to index
      %get3A_384 = arith.index_cast %multiple_of3A_380 : i32 to index
      %get3A_385 = tpu.vector_load %arg9[%get3A_382, %get3A_383, %get3A_384] {strides = array<i32>} : memref<2x4x128xi32, #tpu.memory_space<vmem>>, vector<16xi32>,
      %add3A_386 = arith.constant 256 : i32
      %add3A_387 = vector.broadcast %add3A_386 : i32 to vector<16xi32>
      %add3A_388 = arith.addi %add3A_374, %add3A_387 : vector<16xi32>
      %shift_right_arithmetic3A = arith.constant 2 : i32
      %shift_right_arithmetic3A_389 = vector.broadcast %shift_right_arithmetic3A : i32 to vector<16xi32>
      %shift_right_arithmetic3A_390 = arith.shrsi %add3A_388, %shift_right_arithmetic3A_389 : vector<16xi32>
      %and3A = arith.constant 3 : i32
      %and3A_391 = vector.broadcast %and3A : i32 to vector<16xi32>
      %and3A_392 = arith.andi %add3A_374, %and3A_391 : vector<16xi32>
      %shift_left3A = arith.constant 5 : i32
      %shift_left3A_393 = vector.broadcast %shift_left3A : i32 to vector<16xi32>
      %shift_left3A_394 = arith.shli %and3A_392, %shift_left3A_393 : vector<16xi32>
      %while3A_395 = arith.constant 0 : i64
      %while3A_396 = arith.constant 0 : i32
      %while3A_397 = arith.constant 32 : i32
      %while3A_398 = arith.subi %while3A_397, %while3A_396 : i32
      %while3A_399 = arith.addi %while3A_396, %while3A_398 : i32
      %while3A_400 = arith.constant 1 : i32
      %while3A_401 = arith.divsi %while3A_398, %while3A_400 : i32
      %while3A_402 = arith.muli %while3A_401, %while3A_400 : i32
      %while3A_403 = arith.addi %while3A_396, %while3A_402 : i32
      %while3A_404 = arith.constant 1 : i32
      scf.for %while3A_406 = %while3A_396 to %while3A_403 step %while3A_404  : i32 {
        %broadcast_in_dim3A = vector.broadcast %while3A_406 : i32 to vector<16xi32>
        %add3A_407 = arith.addi %get3A_379, %broadcast_in_dim3A : vector<16xi32>
        %gather3A = arith.constant 0 : i32
        %gather3A_408 = arith.constant 0 : i32
        %gather3A_409 = tpu.memref_slice %arg10[%while3A_308, %gather3A, %gather3A_408] : memref<2x128x128xf32, #tpu.memory_space<vmem>> -> memref<1x128x128xf32, #tpu.memory_space<vmem>>
        %gather3A_410 = tpu.memref_squeeze %gather3A_409 : memref<1x128x128xf32, #tpu.memory_space<vmem>> -> memref<128x128xf32, #tpu.memory_space<vmem>>
        %gather3A_411 = tpu.vector_load_idx %gather3A_410[%add3A_374, %add3A_407] : memref<128x128xf32, #tpu.memory_space<vmem>>[vector<16xi32>, vector<16xi32>], vector<16xf32>,
        %add3A_412 = arith.addi %get3A_385, %broadcast_in_dim3A : vector<16xi32>
        %gather3A_413 = arith.constant 0 : i32
        %gather3A_414 = arith.constant 0 : i32
        %gather3A_415 = tpu.memref_slice %arg11[%while3A_308, %gather3A_413, %gather3A_414] : memref<2x128x128xf32, #tpu.memory_space<vmem>> -> memref<1x128x128xf32, #tpu.memory_space<vmem>>
        %gather3A_416 = tpu.memref_squeeze %gather3A_415 : memref<1x128x128xf32, #tpu.memory_space<vmem>> -> memref<128x128xf32, #tpu.memory_space<vmem>>
        %gather3A_417 = tpu.vector_load_idx %gather3A_416[%add3A_374, %add3A_412] : memref<128x128xf32, #tpu.memory_space<vmem>>[vector<16xi32>, vector<16xi32>], vector<16xf32>,
        %add3A_418 = arith.addi %shift_left3A_394, %broadcast_in_dim3A : vector<16xi32>
        %mul3A_419 = arith.mulf %gather3A_411, %get3A_27 : vector<16xf32>
        %mul3A_420 = arith.mulf %gather3A_417, %get3A_29 : vector<16xf32>
        %add3A_421 = arith.addf %mul3A_419, %mul3A_420 : vector<16xf32>
        tpu.vector_store_idx %arg12[%shift_right_arithmetic3A_390, %add3A_418], %add3A_421 : memref<128x128xf32, #tpu.memory_space<vmem>>[vector<16xi32>, vector<16xi32>], vector<16xf32>,
      }
      %while3A_405 = arith.constant 1 : i32
      scf.for %while3A_406 = %while3A_403 to %while3A_399 step %while3A_405  : i32 {
        %broadcast_in_dim3A = vector.broadcast %while3A_406 : i32 to vector<16xi32>
        %add3A_407 = arith.addi %get3A_379, %broadcast_in_dim3A : vector<16xi32>
        %gather3A = arith.constant 0 : i32
        %gather3A_408 = arith.constant 0 : i32
        %gather3A_409 = tpu.memref_slice %arg10[%while3A_308, %gather3A, %gather3A_408] : memref<2x128x128xf32, #tpu.memory_space<vmem>> -> memref<1x128x128xf32, #tpu.memory_space<vmem>>
        %gather3A_410 = tpu.memref_squeeze %gather3A_409 : memref<1x128x128xf32, #tpu.memory_space<vmem>> -> memref<128x128xf32, #tpu.memory_space<vmem>>
        %gather3A_411 = tpu.vector_load_idx %gather3A_410[%add3A_374, %add3A_407] : memref<128x128xf32, #tpu.memory_space<vmem>>[vector<16xi32>, vector<16xi32>], vector<16xf32>,
        %add3A_412 = arith.addi %get3A_385, %broadcast_in_dim3A : vector<16xi32>
        %gather3A_413 = arith.constant 0 : i32
        %gather3A_414 = arith.constant 0 : i32
        %gather3A_415 = tpu.memref_slice %arg11[%while3A_308, %gather3A_413, %gather3A_414] : memref<2x128x128xf32, #tpu.memory_space<vmem>> -> memref<1x128x128xf32, #tpu.memory_space<vmem>>
        %gather3A_416 = tpu.memref_squeeze %gather3A_415 : memref<1x128x128xf32, #tpu.memory_space<vmem>> -> memref<128x128xf32, #tpu.memory_space<vmem>>
        %gather3A_417 = tpu.vector_load_idx %gather3A_416[%add3A_374, %add3A_412] : memref<128x128xf32, #tpu.memory_space<vmem>>[vector<16xi32>, vector<16xi32>], vector<16xf32>,
        %add3A_418 = arith.addi %shift_left3A_394, %broadcast_in_dim3A : vector<16xi32>
        %mul3A_419 = arith.mulf %gather3A_411, %get3A_27 : vector<16xf32>
        %mul3A_420 = arith.mulf %gather3A_417, %get3A_29 : vector<16xf32>
        %add3A_421 = arith.addf %mul3A_419, %mul3A_420 : vector<16xf32>
        tpu.vector_store_idx %arg12[%shift_right_arithmetic3A_390, %add3A_418], %add3A_421 : memref<128x128xf32, #tpu.memory_space<vmem>>[vector<16xi32>, vector<16xi32>], vector<16xf32>,
      }
    }
    %while3A_318 = arith.constant 1 : i32
    scf.for %while3A_370 = %while3A_316 to %while3A_312 step %while3A_318  : i32 {
      %mul3A_371 = arith.constant 16 : i32
      %mul3A_372 = arith.muli %while3A_370, %mul3A_371 : i32
      %iota3A = tpu.iota {dimensions = array<i32: 0>} : vector<16xi32>
      %add3A_373 = vector.broadcast %mul3A_372 : i32 to vector<16xi32>
      %add3A_374 = arith.addi %iota3A, %add3A_373 : vector<16xi32>
      %multiple_of3A = tpu.assume_multiple %mul3A_372, 16 : i32
      %get3A_375 = arith.constant 0 : i64
      %get3A_376 = arith.index_cast %get3A_375 : i64 to index
      %get3A_377 = arith.index_cast %while3A_307 : i32 to index
      %get3A_378 = arith.index_cast %multiple_of3A : i32 to index
      %get3A_379 = tpu.vector_load %arg9[%get3A_376, %get3A_377, %get3A_378] {strides = array<i32>} : memref<2x4x128xi32, #tpu.memory_space<vmem>>, vector<16xi32>,
      %multiple_of3A_380 = tpu.assume_multiple %mul3A_372, 16 : i32
      %get3A_381 = arith.constant 1 : i64
      %get3A_382 = arith.index_cast %get3A_381 : i64 to index
      %get3A_383 = arith.index_cast %while3A_307 : i32 to index
      %get3A_384 = arith.index_cast %multiple_of3A_380 : i32 to index
      %get3A_385 = tpu.vector_load %arg9[%get3A_382, %get3A_383, %get3A_384] {strides = array<i32>} : memref<2x4x128xi32, #tpu.memory_space<vmem>>, vector<16xi32>,
      %add3A_386 = arith.constant 256 : i32
      %add3A_387 = vector.broadcast %add3A_386 : i32 to vector<16xi32>
      %add3A_388 = arith.addi %add3A_374, %add3A_387 : vector<16xi32>
      %shift_right_arithmetic3A = arith.constant 2 : i32
      %shift_right_arithmetic3A_389 = vector.broadcast %shift_right_arithmetic3A : i32 to vector<16xi32>
      %shift_right_arithmetic3A_390 = arith.shrsi %add3A_388, %shift_right_arithmetic3A_389 : vector<16xi32>
      %and3A = arith.constant 3 : i32
      %and3A_391 = vector.broadcast %and3A : i32 to vector<16xi32>
      %and3A_392 = arith.andi %add3A_374, %and3A_391 : vector<16xi32>
      %shift_left3A = arith.constant 5 : i32
      %shift_left3A_393 = vector.broadcast %shift_left3A : i32 to vector<16xi32>
      %shift_left3A_394 = arith.shli %and3A_392, %shift_left3A_393 : vector<16xi32>
      %while3A_395 = arith.constant 0 : i64
      %while3A_396 = arith.constant 0 : i32
      %while3A_397 = arith.constant 32 : i32
      %while3A_398 = arith.subi %while3A_397, %while3A_396 : i32
      %while3A_399 = arith.addi %while3A_396, %while3A_398 : i32
      %while3A_400 = arith.constant 1 : i32
      %while3A_401 = arith.divsi %while3A_398, %while3A_400 : i32
      %while3A_402 = arith.muli %while3A_401, %while3A_400 : i32
      %while3A_403 = arith.addi %while3A_396, %while3A_402 : i32
      %while3A_404 = arith.constant 1 : i32
      scf.for %while3A_406 = %while3A_396 to %while3A_403 step %while3A_404  : i32 {
        %broadcast_in_dim3A = vector.broadcast %while3A_406 : i32 to vector<16xi32>
        %add3A_407 = arith.addi %get3A_379, %broadcast_in_dim3A : vector<16xi32>
        %gather3A = arith.constant 0 : i32
        %gather3A_408 = arith.constant 0 : i32
        %gather3A_409 = tpu.memref_slice %arg10[%while3A_308, %gather3A, %gather3A_408] : memref<2x128x128xf32, #tpu.memory_space<vmem>> -> memref<1x128x128xf32, #tpu.memory_space<vmem>>
        %gather3A_410 = tpu.memref_squeeze %gather3A_409 : memref<1x128x128xf32, #tpu.memory_space<vmem>> -> memref<128x128xf32, #tpu.memory_space<vmem>>
        %gather3A_411 = tpu.vector_load_idx %gather3A_410[%add3A_374, %add3A_407] : memref<128x128xf32, #tpu.memory_space<vmem>>[vector<16xi32>, vector<16xi32>], vector<16xf32>,
        %add3A_412 = arith.addi %get3A_385, %broadcast_in_dim3A : vector<16xi32>
        %gather3A_413 = arith.constant 0 : i32
        %gather3A_414 = arith.constant 0 : i32
        %gather3A_415 = tpu.memref_slice %arg11[%while3A_308, %gather3A_413, %gather3A_414] : memref<2x128x128xf32, #tpu.memory_space<vmem>> -> memref<1x128x128xf32, #tpu.memory_space<vmem>>
        %gather3A_416 = tpu.memref_squeeze %gather3A_415 : memref<1x128x128xf32, #tpu.memory_space<vmem>> -> memref<128x128xf32, #tpu.memory_space<vmem>>
        %gather3A_417 = tpu.vector_load_idx %gather3A_416[%add3A_374, %add3A_412] : memref<128x128xf32, #tpu.memory_space<vmem>>[vector<16xi32>, vector<16xi32>], vector<16xf32>,
        %add3A_418 = arith.addi %shift_left3A_394, %broadcast_in_dim3A : vector<16xi32>
        %mul3A_419 = arith.mulf %gather3A_411, %get3A_27 : vector<16xf32>
        %mul3A_420 = arith.mulf %gather3A_417, %get3A_29 : vector<16xf32>
        %add3A_421 = arith.addf %mul3A_419, %mul3A_420 : vector<16xf32>
        tpu.vector_store_idx %arg12[%shift_right_arithmetic3A_390, %add3A_418], %add3A_421 : memref<128x128xf32, #tpu.memory_space<vmem>>[vector<16xi32>, vector<16xi32>], vector<16xf32>,
      }
      %while3A_405 = arith.constant 1 : i32
      scf.for %while3A_406 = %while3A_403 to %while3A_399 step %while3A_405  : i32 {
        %broadcast_in_dim3A = vector.broadcast %while3A_406 : i32 to vector<16xi32>
        %add3A_407 = arith.addi %get3A_379, %broadcast_in_dim3A : vector<16xi32>
        %gather3A = arith.constant 0 : i32
        %gather3A_408 = arith.constant 0 : i32
        %gather3A_409 = tpu.memref_slice %arg10[%while3A_308, %gather3A, %gather3A_408] : memref<2x128x128xf32, #tpu.memory_space<vmem>> -> memref<1x128x128xf32, #tpu.memory_space<vmem>>
        %gather3A_410 = tpu.memref_squeeze %gather3A_409 : memref<1x128x128xf32, #tpu.memory_space<vmem>> -> memref<128x128xf32, #tpu.memory_space<vmem>>
        %gather3A_411 = tpu.vector_load_idx %gather3A_410[%add3A_374, %add3A_407] : memref<128x128xf32, #tpu.memory_space<vmem>>[vector<16xi32>, vector<16xi32>], vector<16xf32>,
        %add3A_412 = arith.addi %get3A_385, %broadcast_in_dim3A : vector<16xi32>
        %gather3A_413 = arith.constant 0 : i32
        %gather3A_414 = arith.constant 0 : i32
        %gather3A_415 = tpu.memref_slice %arg11[%while3A_308, %gather3A_413, %gather3A_414] : memref<2x128x128xf32, #tpu.memory_space<vmem>> -> memref<1x128x128xf32, #tpu.memory_space<vmem>>
        %gather3A_416 = tpu.memref_squeeze %gather3A_415 : memref<1x128x128xf32, #tpu.memory_space<vmem>> -> memref<128x128xf32, #tpu.memory_space<vmem>>
        %gather3A_417 = tpu.vector_load_idx %gather3A_416[%add3A_374, %add3A_412] : memref<128x128xf32, #tpu.memory_space<vmem>>[vector<16xi32>, vector<16xi32>], vector<16xf32>,
        %add3A_418 = arith.addi %shift_left3A_394, %broadcast_in_dim3A : vector<16xi32>
        %mul3A_419 = arith.mulf %gather3A_411, %get3A_27 : vector<16xf32>
        %mul3A_420 = arith.mulf %gather3A_417, %get3A_29 : vector<16xf32>
        %add3A_421 = arith.addf %mul3A_419, %mul3A_420 : vector<16xf32>
        tpu.vector_store_idx %arg12[%shift_right_arithmetic3A_390, %add3A_418], %add3A_421 : memref<128x128xf32, #tpu.memory_space<vmem>>[vector<16xi32>, vector<16xi32>], vector<16xf32>,
      }
    }
    %dma_wait3A_319 = arith.constant 0 : i32
    %dma_wait3A_320 = arith.constant 0 : i32
    %dma_wait3A_321 = arith.constant 3 : i32
    %dma_wait3A_322 = arith.constant 1 : i32
    %dma_wait3A_323 = arith.constant 0 : i32
    %dma_wait3A_324 = arith.constant 0 : i32
    %dma_wait3A_325 = tpu.memref_slice %arg10[%dma_wait3A_322, %dma_wait3A_323, %dma_wait3A_324] : memref<2x128x128xf32, #tpu.memory_space<vmem>> -> memref<1x128x128xf32, #tpu.memory_space<vmem>>
    %dma_wait3A_326 = tpu.memref_squeeze %dma_wait3A_325 : memref<1x128x128xf32, #tpu.memory_space<vmem>> -> memref<128x128xf32, #tpu.memory_space<vmem>>
    %dma_wait3A_327 = arith.constant 0 : i32
    %dma_wait3A_328 = tpu.memref_slice %arg8[%dma_wait3A_320, %dma_wait3A_321, %dma_wait3A_327] : memref<2x4x128xi32, #tpu.memory_space<vmem>> -> memref<1x1x128xi32, #tpu.memory_space<vmem>>
    %dma_wait3A_329 = tpu.memref_squeeze %dma_wait3A_328 : memref<1x1x128xi32, #tpu.memory_space<vmem>> -> memref<128xi32, #tpu.memory_space<vmem>>
    %dma_wait3A_330 = arith.constant 0 : i32
    %dma_wait3A_331 = arith.constant 0 : i32
    %dma_wait3A_332 = tpu.memref_slice %arg2[%dma_wait3A_319, %dma_wait3A_330, %dma_wait3A_331] : memref<2x250000x128xf32, #tpu.memory_space<hbm>> -> memref<1x250000x128xf32, #tpu.memory_space<hbm>>
    %dma_wait3A_333 = tpu.memref_squeeze %dma_wait3A_332 : memref<1x250000x128xf32, #tpu.memory_space<hbm>> -> memref<250000x128xf32, #tpu.memory_space<hbm>>
    %dma_wait3A_334 = arith.constant 0 : i32
    %dma_wait3A_335 = arith.constant 0 : i32
    %dma_wait3A_336 = tpu.memref_slice %dma_wait3A_333[%dma_wait3A_334, %dma_wait3A_335] : memref<250000x128xf32, #tpu.memory_space<hbm>> -> memref<250000x128xf32, #tpu.memory_space<hbm>>
    tpu.wait_indirect_dma semaphore(%arg16 : memref<!tpu.dma_semaphore, #tpu.memory_space<semaphore_mem>>) src(%dma_wait3A_336 : memref<250000x128xf32, #tpu.memory_space<hbm>>) dst(%dma_wait3A_326 : memref<128x128xf32, #tpu.memory_space<vmem>>)
    %dma_wait3A_337 = arith.constant 1 : i32
    %dma_wait3A_338 = arith.constant 1 : i32
    %dma_wait3A_339 = arith.constant 3 : i32
    %dma_wait3A_340 = arith.constant 1 : i32
    %dma_wait3A_341 = arith.constant 0 : i32
    %dma_wait3A_342 = arith.constant 0 : i32
    %dma_wait3A_343 = tpu.memref_slice %arg11[%dma_wait3A_340, %dma_wait3A_341, %dma_wait3A_342] : memref<2x128x128xf32, #tpu.memory_space<vmem>> -> memref<1x128x128xf32, #tpu.memory_space<vmem>>
    %dma_wait3A_344 = tpu.memref_squeeze %dma_wait3A_343 : memref<1x128x128xf32, #tpu.memory_space<vmem>> -> memref<128x128xf32, #tpu.memory_space<vmem>>
    %dma_wait3A_345 = arith.constant 0 : i32
    %dma_wait3A_346 = tpu.memref_slice %arg8[%dma_wait3A_338, %dma_wait3A_339, %dma_wait3A_345] : memref<2x4x128xi32, #tpu.memory_space<vmem>> -> memref<1x1x128xi32, #tpu.memory_space<vmem>>
    %dma_wait3A_347 = tpu.memref_squeeze %dma_wait3A_346 : memref<1x1x128xi32, #tpu.memory_space<vmem>> -> memref<128xi32, #tpu.memory_space<vmem>>
    %dma_wait3A_348 = arith.constant 0 : i32
    %dma_wait3A_349 = arith.constant 0 : i32
    %dma_wait3A_350 = tpu.memref_slice %arg2[%dma_wait3A_337, %dma_wait3A_348, %dma_wait3A_349] : memref<2x250000x128xf32, #tpu.memory_space<hbm>> -> memref<1x250000x128xf32, #tpu.memory_space<hbm>>
    %dma_wait3A_351 = tpu.memref_squeeze %dma_wait3A_350 : memref<1x250000x128xf32, #tpu.memory_space<hbm>> -> memref<250000x128xf32, #tpu.memory_space<hbm>>
    %dma_wait3A_352 = arith.constant 0 : i32
    %dma_wait3A_353 = arith.constant 0 : i32
    %dma_wait3A_354 = tpu.memref_slice %dma_wait3A_351[%dma_wait3A_352, %dma_wait3A_353] : memref<250000x128xf32, #tpu.memory_space<hbm>> -> memref<250000x128xf32, #tpu.memory_space<hbm>>
    tpu.wait_indirect_dma semaphore(%arg16 : memref<!tpu.dma_semaphore, #tpu.memory_space<semaphore_mem>>) src(%dma_wait3A_354 : memref<250000x128xf32, #tpu.memory_space<hbm>>) dst(%dma_wait3A_344 : memref<128x128xf32, #tpu.memory_space<vmem>>)
    %while3A_355 = arith.constant 0 : i64
    %while3A_356 = arith.constant 3 : i32
    %while3A_357 = arith.constant 1 : i32
    %while3A_358 = arith.constant 0 : i32
    %while3A_359 = arith.constant 8 : i32
    %while3A_360 = arith.subi %while3A_359, %while3A_358 : i32
    %while3A_361 = arith.addi %while3A_358, %while3A_360 : i32
    %while3A_362 = arith.constant 1 : i32
    %while3A_363 = arith.divsi %while3A_360, %while3A_362 : i32
    %while3A_364 = arith.muli %while3A_363, %while3A_362 : i32
    %while3A_365 = arith.addi %while3A_358, %while3A_364 : i32
    %while3A_366 = arith.constant 1 : i32
    scf.for %while3A_370 = %while3A_358 to %while3A_365 step %while3A_366  : i32 {
      %mul3A_371 = arith.constant 16 : i32
      %mul3A_372 = arith.muli %while3A_370, %mul3A_371 : i32
      %iota3A = tpu.iota {dimensions = array<i32: 0>} : vector<16xi32>
      %add3A_373 = vector.broadcast %mul3A_372 : i32 to vector<16xi32>
      %add3A_374 = arith.addi %iota3A, %add3A_373 : vector<16xi32>
      %multiple_of3A = tpu.assume_multiple %mul3A_372, 16 : i32
      %get3A_375 = arith.constant 0 : i64
      %get3A_376 = arith.index_cast %get3A_375 : i64 to index
      %get3A_377 = arith.index_cast %while3A_356 : i32 to index
      %get3A_378 = arith.index_cast %multiple_of3A : i32 to index
      %get3A_379 = tpu.vector_load %arg9[%get3A_376, %get3A_377, %get3A_378] {strides = array<i32>} : memref<2x4x128xi32, #tpu.memory_space<vmem>>, vector<16xi32>,
      %multiple_of3A_380 = tpu.assume_multiple %mul3A_372, 16 : i32
      %get3A_381 = arith.constant 1 : i64
      %get3A_382 = arith.index_cast %get3A_381 : i64 to index
      %get3A_383 = arith.index_cast %while3A_356 : i32 to index
      %get3A_384 = arith.index_cast %multiple_of3A_380 : i32 to index
      %get3A_385 = tpu.vector_load %arg9[%get3A_382, %get3A_383, %get3A_384] {strides = array<i32>} : memref<2x4x128xi32, #tpu.memory_space<vmem>>, vector<16xi32>,
      %add3A_386 = arith.constant 384 : i32
      %add3A_387 = vector.broadcast %add3A_386 : i32 to vector<16xi32>
      %add3A_388 = arith.addi %add3A_374, %add3A_387 : vector<16xi32>
      %shift_right_arithmetic3A = arith.constant 2 : i32
      %shift_right_arithmetic3A_389 = vector.broadcast %shift_right_arithmetic3A : i32 to vector<16xi32>
      %shift_right_arithmetic3A_390 = arith.shrsi %add3A_388, %shift_right_arithmetic3A_389 : vector<16xi32>
      %and3A = arith.constant 3 : i32
      %and3A_391 = vector.broadcast %and3A : i32 to vector<16xi32>
      %and3A_392 = arith.andi %add3A_374, %and3A_391 : vector<16xi32>
      %shift_left3A = arith.constant 5 : i32
      %shift_left3A_393 = vector.broadcast %shift_left3A : i32 to vector<16xi32>
      %shift_left3A_394 = arith.shli %and3A_392, %shift_left3A_393 : vector<16xi32>
      %while3A_395 = arith.constant 0 : i64
      %while3A_396 = arith.constant 0 : i32
      %while3A_397 = arith.constant 32 : i32
      %while3A_398 = arith.subi %while3A_397, %while3A_396 : i32
      %while3A_399 = arith.addi %while3A_396, %while3A_398 : i32
      %while3A_400 = arith.constant 1 : i32
      %while3A_401 = arith.divsi %while3A_398, %while3A_400 : i32
      %while3A_402 = arith.muli %while3A_401, %while3A_400 : i32
      %while3A_403 = arith.addi %while3A_396, %while3A_402 : i32
      %while3A_404 = arith.constant 1 : i32
      scf.for %while3A_406 = %while3A_396 to %while3A_403 step %while3A_404  : i32 {
        %broadcast_in_dim3A = vector.broadcast %while3A_406 : i32 to vector<16xi32>
        %add3A_407 = arith.addi %get3A_379, %broadcast_in_dim3A : vector<16xi32>
        %gather3A = arith.constant 0 : i32
        %gather3A_408 = arith.constant 0 : i32
        %gather3A_409 = tpu.memref_slice %arg10[%while3A_357, %gather3A, %gather3A_408] : memref<2x128x128xf32, #tpu.memory_space<vmem>> -> memref<1x128x128xf32, #tpu.memory_space<vmem>>
        %gather3A_410 = tpu.memref_squeeze %gather3A_409 : memref<1x128x128xf32, #tpu.memory_space<vmem>> -> memref<128x128xf32, #tpu.memory_space<vmem>>
        %gather3A_411 = tpu.vector_load_idx %gather3A_410[%add3A_374, %add3A_407] : memref<128x128xf32, #tpu.memory_space<vmem>>[vector<16xi32>, vector<16xi32>], vector<16xf32>,
        %add3A_412 = arith.addi %get3A_385, %broadcast_in_dim3A : vector<16xi32>
        %gather3A_413 = arith.constant 0 : i32
        %gather3A_414 = arith.constant 0 : i32
        %gather3A_415 = tpu.memref_slice %arg11[%while3A_357, %gather3A_413, %gather3A_414] : memref<2x128x128xf32, #tpu.memory_space<vmem>> -> memref<1x128x128xf32, #tpu.memory_space<vmem>>
        %gather3A_416 = tpu.memref_squeeze %gather3A_415 : memref<1x128x128xf32, #tpu.memory_space<vmem>> -> memref<128x128xf32, #tpu.memory_space<vmem>>
        %gather3A_417 = tpu.vector_load_idx %gather3A_416[%add3A_374, %add3A_412] : memref<128x128xf32, #tpu.memory_space<vmem>>[vector<16xi32>, vector<16xi32>], vector<16xf32>,
        %add3A_418 = arith.addi %shift_left3A_394, %broadcast_in_dim3A : vector<16xi32>
        %mul3A_419 = arith.mulf %gather3A_411, %get3A_27 : vector<16xf32>
        %mul3A_420 = arith.mulf %gather3A_417, %get3A_29 : vector<16xf32>
        %add3A_421 = arith.addf %mul3A_419, %mul3A_420 : vector<16xf32>
        tpu.vector_store_idx %arg12[%shift_right_arithmetic3A_390, %add3A_418], %add3A_421 : memref<128x128xf32, #tpu.memory_space<vmem>>[vector<16xi32>, vector<16xi32>], vector<16xf32>,
      }
      %while3A_405 = arith.constant 1 : i32
      scf.for %while3A_406 = %while3A_403 to %while3A_399 step %while3A_405  : i32 {
        %broadcast_in_dim3A = vector.broadcast %while3A_406 : i32 to vector<16xi32>
        %add3A_407 = arith.addi %get3A_379, %broadcast_in_dim3A : vector<16xi32>
        %gather3A = arith.constant 0 : i32
        %gather3A_408 = arith.constant 0 : i32
        %gather3A_409 = tpu.memref_slice %arg10[%while3A_357, %gather3A, %gather3A_408] : memref<2x128x128xf32, #tpu.memory_space<vmem>> -> memref<1x128x128xf32, #tpu.memory_space<vmem>>
        %gather3A_410 = tpu.memref_squeeze %gather3A_409 : memref<1x128x128xf32, #tpu.memory_space<vmem>> -> memref<128x128xf32, #tpu.memory_space<vmem>>
        %gather3A_411 = tpu.vector_load_idx %gather3A_410[%add3A_374, %add3A_407] : memref<128x128xf32, #tpu.memory_space<vmem>>[vector<16xi32>, vector<16xi32>], vector<16xf32>,
        %add3A_412 = arith.addi %get3A_385, %broadcast_in_dim3A : vector<16xi32>
        %gather3A_413 = arith.constant 0 : i32
        %gather3A_414 = arith.constant 0 : i32
        %gather3A_415 = tpu.memref_slice %arg11[%while3A_357, %gather3A_413, %gather3A_414] : memref<2x128x128xf32, #tpu.memory_space<vmem>> -> memref<1x128x128xf32, #tpu.memory_space<vmem>>
        %gather3A_416 = tpu.memref_squeeze %gather3A_415 : memref<1x128x128xf32, #tpu.memory_space<vmem>> -> memref<128x128xf32, #tpu.memory_space<vmem>>
        %gather3A_417 = tpu.vector_load_idx %gather3A_416[%add3A_374, %add3A_412] : memref<128x128xf32, #tpu.memory_space<vmem>>[vector<16xi32>, vector<16xi32>], vector<16xf32>,
        %add3A_418 = arith.addi %shift_left3A_394, %broadcast_in_dim3A : vector<16xi32>
        %mul3A_419 = arith.mulf %gather3A_411, %get3A_27 : vector<16xf32>
        %mul3A_420 = arith.mulf %gather3A_417, %get3A_29 : vector<16xf32>
        %add3A_421 = arith.addf %mul3A_419, %mul3A_420 : vector<16xf32>
        tpu.vector_store_idx %arg12[%shift_right_arithmetic3A_390, %add3A_418], %add3A_421 : memref<128x128xf32, #tpu.memory_space<vmem>>[vector<16xi32>, vector<16xi32>], vector<16xf32>,
      }
    }
    %while3A_367 = arith.constant 1 : i32
    scf.for %while3A_370 = %while3A_365 to %while3A_361 step %while3A_367  : i32 {
      %mul3A_371 = arith.constant 16 : i32
      %mul3A_372 = arith.muli %while3A_370, %mul3A_371 : i32
      %iota3A = tpu.iota {dimensions = array<i32: 0>} : vector<16xi32>
      %add3A_373 = vector.broadcast %mul3A_372 : i32 to vector<16xi32>
      %add3A_374 = arith.addi %iota3A, %add3A_373 : vector<16xi32>
      %multiple_of3A = tpu.assume_multiple %mul3A_372, 16 : i32
      %get3A_375 = arith.constant 0 : i64
      %get3A_376 = arith.index_cast %get3A_375 : i64 to index
      %get3A_377 = arith.index_cast %while3A_356 : i32 to index
      %get3A_378 = arith.index_cast %multiple_of3A : i32 to index
      %get3A_379 = tpu.vector_load %arg9[%get3A_376, %get3A_377, %get3A_378] {strides = array<i32>} : memref<2x4x128xi32, #tpu.memory_space<vmem>>, vector<16xi32>,
      %multiple_of3A_380 = tpu.assume_multiple %mul3A_372, 16 : i32
      %get3A_381 = arith.constant 1 : i64
      %get3A_382 = arith.index_cast %get3A_381 : i64 to index
      %get3A_383 = arith.index_cast %while3A_356 : i32 to index
      %get3A_384 = arith.index_cast %multiple_of3A_380 : i32 to index
      %get3A_385 = tpu.vector_load %arg9[%get3A_382, %get3A_383, %get3A_384] {strides = array<i32>} : memref<2x4x128xi32, #tpu.memory_space<vmem>>, vector<16xi32>,
      %add3A_386 = arith.constant 384 : i32
      %add3A_387 = vector.broadcast %add3A_386 : i32 to vector<16xi32>
      %add3A_388 = arith.addi %add3A_374, %add3A_387 : vector<16xi32>
      %shift_right_arithmetic3A = arith.constant 2 : i32
      %shift_right_arithmetic3A_389 = vector.broadcast %shift_right_arithmetic3A : i32 to vector<16xi32>
      %shift_right_arithmetic3A_390 = arith.shrsi %add3A_388, %shift_right_arithmetic3A_389 : vector<16xi32>
      %and3A = arith.constant 3 : i32
      %and3A_391 = vector.broadcast %and3A : i32 to vector<16xi32>
      %and3A_392 = arith.andi %add3A_374, %and3A_391 : vector<16xi32>
      %shift_left3A = arith.constant 5 : i32
      %shift_left3A_393 = vector.broadcast %shift_left3A : i32 to vector<16xi32>
      %shift_left3A_394 = arith.shli %and3A_392, %shift_left3A_393 : vector<16xi32>
      %while3A_395 = arith.constant 0 : i64
      %while3A_396 = arith.constant 0 : i32
      %while3A_397 = arith.constant 32 : i32
      %while3A_398 = arith.subi %while3A_397, %while3A_396 : i32
      %while3A_399 = arith.addi %while3A_396, %while3A_398 : i32
      %while3A_400 = arith.constant 1 : i32
      %while3A_401 = arith.divsi %while3A_398, %while3A_400 : i32
      %while3A_402 = arith.muli %while3A_401, %while3A_400 : i32
      %while3A_403 = arith.addi %while3A_396, %while3A_402 : i32
      %while3A_404 = arith.constant 1 : i32
      scf.for %while3A_406 = %while3A_396 to %while3A_403 step %while3A_404  : i32 {
        %broadcast_in_dim3A = vector.broadcast %while3A_406 : i32 to vector<16xi32>
        %add3A_407 = arith.addi %get3A_379, %broadcast_in_dim3A : vector<16xi32>
        %gather3A = arith.constant 0 : i32
        %gather3A_408 = arith.constant 0 : i32
        %gather3A_409 = tpu.memref_slice %arg10[%while3A_357, %gather3A, %gather3A_408] : memref<2x128x128xf32, #tpu.memory_space<vmem>> -> memref<1x128x128xf32, #tpu.memory_space<vmem>>
        %gather3A_410 = tpu.memref_squeeze %gather3A_409 : memref<1x128x128xf32, #tpu.memory_space<vmem>> -> memref<128x128xf32, #tpu.memory_space<vmem>>
        %gather3A_411 = tpu.vector_load_idx %gather3A_410[%add3A_374, %add3A_407] : memref<128x128xf32, #tpu.memory_space<vmem>>[vector<16xi32>, vector<16xi32>], vector<16xf32>,
        %add3A_412 = arith.addi %get3A_385, %broadcast_in_dim3A : vector<16xi32>
        %gather3A_413 = arith.constant 0 : i32
        %gather3A_414 = arith.constant 0 : i32
        %gather3A_415 = tpu.memref_slice %arg11[%while3A_357, %gather3A_413, %gather3A_414] : memref<2x128x128xf32, #tpu.memory_space<vmem>> -> memref<1x128x128xf32, #tpu.memory_space<vmem>>
        %gather3A_416 = tpu.memref_squeeze %gather3A_415 : memref<1x128x128xf32, #tpu.memory_space<vmem>> -> memref<128x128xf32, #tpu.memory_space<vmem>>
        %gather3A_417 = tpu.vector_load_idx %gather3A_416[%add3A_374, %add3A_412] : memref<128x128xf32, #tpu.memory_space<vmem>>[vector<16xi32>, vector<16xi32>], vector<16xf32>,
        %add3A_418 = arith.addi %shift_left3A_394, %broadcast_in_dim3A : vector<16xi32>
        %mul3A_419 = arith.mulf %gather3A_411, %get3A_27 : vector<16xf32>
        %mul3A_420 = arith.mulf %gather3A_417, %get3A_29 : vector<16xf32>
        %add3A_421 = arith.addf %mul3A_419, %mul3A_420 : vector<16xf32>
        tpu.vector_store_idx %arg12[%shift_right_arithmetic3A_390, %add3A_418], %add3A_421 : memref<128x128xf32, #tpu.memory_space<vmem>>[vector<16xi32>, vector<16xi32>], vector<16xf32>,
      }
      %while3A_405 = arith.constant 1 : i32
      scf.for %while3A_406 = %while3A_403 to %while3A_399 step %while3A_405  : i32 {
        %broadcast_in_dim3A = vector.broadcast %while3A_406 : i32 to vector<16xi32>
        %add3A_407 = arith.addi %get3A_379, %broadcast_in_dim3A : vector<16xi32>
        %gather3A = arith.constant 0 : i32
        %gather3A_408 = arith.constant 0 : i32
        %gather3A_409 = tpu.memref_slice %arg10[%while3A_357, %gather3A, %gather3A_408] : memref<2x128x128xf32, #tpu.memory_space<vmem>> -> memref<1x128x128xf32, #tpu.memory_space<vmem>>
        %gather3A_410 = tpu.memref_squeeze %gather3A_409 : memref<1x128x128xf32, #tpu.memory_space<vmem>> -> memref<128x128xf32, #tpu.memory_space<vmem>>
        %gather3A_411 = tpu.vector_load_idx %gather3A_410[%add3A_374, %add3A_407] : memref<128x128xf32, #tpu.memory_space<vmem>>[vector<16xi32>, vector<16xi32>], vector<16xf32>,
        %add3A_412 = arith.addi %get3A_385, %broadcast_in_dim3A : vector<16xi32>
        %gather3A_413 = arith.constant 0 : i32
        %gather3A_414 = arith.constant 0 : i32
        %gather3A_415 = tpu.memref_slice %arg11[%while3A_357, %gather3A_413, %gather3A_414] : memref<2x128x128xf32, #tpu.memory_space<vmem>> -> memref<1x128x128xf32, #tpu.memory_space<vmem>>
        %gather3A_416 = tpu.memref_squeeze %gather3A_415 : memref<1x128x128xf32, #tpu.memory_space<vmem>> -> memref<128x128xf32, #tpu.memory_space<vmem>>
        %gather3A_417 = tpu.vector_load_idx %gather3A_416[%add3A_374, %add3A_412] : memref<128x128xf32, #tpu.memory_space<vmem>>[vector<16xi32>, vector<16xi32>], vector<16xf32>,
        %add3A_418 = arith.addi %shift_left3A_394, %broadcast_in_dim3A : vector<16xi32>
        %mul3A_419 = arith.mulf %gather3A_411, %get3A_27 : vector<16xf32>
        %mul3A_420 = arith.mulf %gather3A_417, %get3A_29 : vector<16xf32>
        %add3A_421 = arith.addf %mul3A_419, %mul3A_420 : vector<16xf32>
        tpu.vector_store_idx %arg12[%shift_right_arithmetic3A_390, %add3A_418], %add3A_421 : memref<128x128xf32, #tpu.memory_space<vmem>>[vector<16xi32>, vector<16xi32>], vector<16xf32>,
      }
    }
    "tpu.trace_stop"() : () -> ()
    "tpu.trace_start"() <{level = 10 : i32, message = "copy_out"}> : () -> ()
    %mul3A_368 = arith.constant 128 : i32
    %mul3A_369 = arith.muli %add3A, %mul3A_368 : i32
    "tpu.region"() ({
      %run_scoped3A = tpu.sem_alloc : memref<!tpu.dma_semaphore, #tpu.memory_space<semaphore_mem>>
      %dma_start3A_370 = arith.constant 0 : i32
      %dma_start3A_371 = tpu.memref_slice %arg6[%mul3A_369, %dma_start3A_370] : memref<4096x128xf32, #tpu.memory_space<hbm>> -> memref<128x128xf32, #tpu.memory_space<hbm>>
      %dma_start3A_372 = arith.constant 0 : i32
      %dma_start3A_373 = tpu.memref_slice %arg6[%mul3A_369, %dma_start3A_372] : memref<4096x128xf32, #tpu.memory_space<hbm>> -> memref<128x128xf32, #tpu.memory_space<hbm>>
      tpu.enqueue_dma source(%arg12 : memref<128x128xf32, #tpu.memory_space<vmem>>) target(%dma_start3A_373 : memref<128x128xf32, #tpu.memory_space<hbm>>) target_semaphore(%run_scoped3A : memref<!tpu.dma_semaphore, #tpu.memory_space<semaphore_mem>>)
      %dma_wait3A_374 = arith.constant 0 : i32
      %dma_wait3A_375 = tpu.memref_slice %arg6[%mul3A_369, %dma_wait3A_374] : memref<4096x128xf32, #tpu.memory_space<hbm>> -> memref<128x128xf32, #tpu.memory_space<hbm>>
      %dma_wait3A_376 = arith.constant 0 : i32
      %dma_wait3A_377 = tpu.memref_slice %arg6[%mul3A_369, %dma_wait3A_376] : memref<4096x128xf32, #tpu.memory_space<hbm>> -> memref<128x128xf32, #tpu.memory_space<hbm>>
      tpu.wait_dma2 semaphore(%run_scoped3A : memref<!tpu.dma_semaphore, #tpu.memory_space<semaphore_mem>>) src(%arg12 : memref<128x128xf32, #tpu.memory_space<vmem>>) dst(%dma_wait3A_377 : memref<128x128xf32, #tpu.memory_space<hbm>>)
      tpu.yield
    }) : () -> ()
    "tpu.trace_stop"() : () -> ()
    return
  }
}

</mosaic_0001>

<sc_bundles>
// kernel: kernel.3.cloned.1.call-start
scs
__scs_entry_jumppad:
0x0: {  	(pc) =	sbr.rel $0x88, $3  }
0x1: {  	(tag) =	ssettag $0x0;
	lr =	simm.s32 $0x1  }
0x2: {  	[smem:$0x3F9C] =	sst lr;
	_ =	strace $0xD0000000  }
0x3: {  	_ = 	snop  }
0x4: {  	_ = 	snop  }
0x5: {  	_ = 	snop  }
0x6: {  	_ = 	snop  }
0x7: {  	_ = 	snop  }
__scs_overlays_trampoline_lowered:
0x8: {  	[smem:$0x3FAB] =	sst s0  }
0x9: {  	[smem:$0x3FAC] =	sst s1  }
0xa: {  	[smem:$0x3FAD] =	sst s2  }
0xb: {  	[smem:$0x3FAE] =	sst s3  }
0xc: {  	[smem:$0x3FAF] =	sst s4  }
0xd: {  	[smem:$0x3FB0] =	sst s5  }
0xe: {  	[smem:$0x3FB1] =	sst s6  }
0xf: {  	[smem:$0x3FB2] =	sst s7  }
0x10: {  	[smem:$0x3FB3] =	sst s8  }
0x11: {  	[smem:$0x3FB4] =	sst s9;
	s0 =	simm.s32 @!p0 $0x0  }
0x12: {  	s1 =	sld [smem:$0x3F9A];
	s0 =	simm.s32 @p0 $0x1  }
0x13: {  	[smem:$0x3FB5] =	sst s0;
	s0 =	simm.s32 @!p1 $0x0  }
0x14: {  	s2 =	sld [smem:$0x3F99];
	s0 =	simm.s32 @p1 $0x1  }
0x15: {  	[smem:$0x3FB6] =	sst s0;
	s0 =	simm.s32 @!p2 $0x0  }
0x16: {  	s3 =	sld [smem:$0x3FDB];
	s0 =	simm.s32 @p2 $0x1  }
0x17: {  	s4 =	simm.s32 $0x1BF5;
	[smem:$0x3FB8] =	sst s0  }
0x18: {  	s0 =	sld [smem:$0x3F9B];
	_ =	swait.ge [sflag:s4], $0x0  }
0x19: {  	s7 =	sld [smem:$0x3F9C]  }
0x1a: {  	s8 =	sadd.s32 $0xFFFFE003, lr  }
0x1b: {  	s9 =	sadd.s32 $0xFFFFFEF7, lr;
	s5 =	simm.s32 $0xFFFFFFFF;
	p2 =	slt.u32 s8, $0xFFFFF086  }
0x1c: {  	p1 =	slt.u32 s9, $0xF7A;
	s5 =	simm.s32 @!p2 $0x0  }
0x1d: {  	s5 =	simm.s32 @p1 $0x1;
	p0 =	seq.s32 s7, s2  }
0x1e: {  	s7 =	smul.u32 @!p0 $0xF7A, s2;
	p2 =	seq.s32 @!p0 s5, $0x0  }
0x1f: {  	s9 =	smul.u32 $0xF7A, s1;
	s8 =	simm.s32 @!p0 $0x1BF5;
	p2 =	por !p2, p0  }
0x20: {  	[sflag:s8] =	ssyncset.s32 @!p0 $0xFFFFF086;
	s6 =	sadd.s32 @!p0 s3, s7;
	s7 =	simm.s32 @!p0 $0x108  }
0x21: {  	s3 =	sadd.s32 s3, s9;
	s6 =	sadd.s32 @!p0 $0x88, s6;
	s7 =	simm.s32 @p2 $0x1082  }
0x22: {  	[simem:s7], [sflag:s8] =	dma.local @!p0 [hbm:s6], $0xF7A  }
0x23: {  	s9 =	sor.u32 $0xD0000000, s2;
	s6 =	simm.s32 $0x108;
	_ =	swait.ge @!p0 [sflag:s8], $0x0  }
0x24: {  	s3 =	sadd.s32 $0x88, s3;
	s6 =	simm.s32 @!p1 $0x1082;
	[sflag:s4] =	ssyncset.s32 $0xFFFFF086  }
0x25: {  	[simem:s6], [sflag:s4] =	dma.local [hbm:s3], $0xF7A  }
0x26: {  	[smem:$0x3F9C] =	sst s1;
	(tag) =	ssettag s2;
	_ =	strace s9  }
0x27: {  	s1 =	sld [smem:$0x3FAC]  }
0x28: {  	s2 =	sld [smem:$0x3FAD]  }
0x29: {  	s4 =	sld [smem:$0x3FAF]  }
0x2a: {  	p0 =	seq.s32 s5, $0x0;
	s5 =	sld [smem:$0x3FB0]  }
0x2b: {  	s6 =	sld [smem:$0x3FB1]  }
0x2c: {  	s7 =	sld [smem:$0x3FB2]  }
0x2d: {  	s3 =	simm.s32 $0x108;
	s8 =	sld [smem:$0x3FB3]  }
0x2e: {  	s3 =	simm.s32 @!p0 $0x1082;
	s9 =	sld [smem:$0x3FB4]  }
0x2f: {  	lr =	sadd.s32 s0, s3;
	s0 =	sld [smem:$0x3FAB]  }
0x30: {  	s3 =	sld [smem:$0x3FAE]  }
0x31: {  	[smem:$0x3FB7] =	sst s10  }
0x32: {  	s10 =	sld [smem:$0x3FB5];
	_ =	sdelay $0x3  }
0x33: {  	p0 =	seq.s32 s10, $0x1;
	s10 =	sld [smem:$0x3FB7];
	_ =	sdelay $0x3  }
0x34: {  	[smem:$0x3FB7] =	sst s10  }
0x35: {  	s10 =	sld [smem:$0x3FB6];
	_ =	sdelay $0x3  }
0x36: {  	p1 =	seq.s32 s10, $0x1;
	s10 =	sld [smem:$0x3FB7];
	_ =	sdelay $0x3  }
0x37: {  	[smem:$0x3FB7] =	sst s10  }
0x38: {  	s10 =	sld [smem:$0x3FB8]  }
0x39: {  	_ = 	snop;
	(pc) =	sbr.ind lr, $3  }
0x3a: {  	_ = 	snop  }
0x3b: {  	_ = 	snop  }
0x3c: {  	p2 =	seq.s32 s10, $0x1;
	s10 =	sld [smem:$0x3FB7]  }
0x3d: {  	_ =	shalt  }
0x3e: {  	_ =	shalt  }
0x3f: {  	_ =	shalt  }
0x40: {  	_ =	shalt  }
0x41: {  	_ =	shalt  }
0x42: {  	_ =	shalt  }
0x43: {  	_ =	shalt  }
0x44: {  	_ =	shalt  }
0x45: {  	_ =	shalt  }
0x46: {  	_ =	shalt  }
0x47: {  	_ =	shalt  }
0x48: {  	_ =	shalt  }
0x49: {  	_ =	shalt  }
0x4a: {  	_ =	shalt  }
0x4b: {  	_ =	shalt  }
0x4c: {  	_ =	shalt  }
0x4d: {  	_ =	shalt  }
0x4e: {  	_ =	shalt  }
0x4f: {  	_ =	shalt  }
0x50: {  	_ =	shalt  }
0x51: {  	_ =	shalt  }
0x52: {  	_ =	shalt  }
0x53: {  	_ =	shalt  }
0x54: {  	_ =	shalt  }
0x55: {  	_ =	shalt  }
0x56: {  	_ =	shalt  }
0x57: {  	_ =	shalt  }
0x58: {  	_ =	shalt  }
0x59: {  	_ =	shalt  }
0x5a: {  	_ =	shalt  }
0x5b: {  	_ =	shalt  }
0x5c: {  	_ =	shalt  }
0x5d: {  	_ =	shalt  }
0x5e: {  	_ =	shalt  }
0x5f: {  	_ =	shalt  }
0x60: {  	_ =	shalt  }
0x61: {  	_ =	shalt  }
0x62: {  	_ =	shalt  }
0x63: {  	_ =	shalt  }
0x64: {  	_ =	shalt  }
0x65: {  	_ =	shalt  }
0x66: {  	_ =	shalt  }
0x67: {  	_ =	shalt  }
0x68: {  	_ =	shalt  }
0x69: {  	_ =	shalt  }
0x6a: {  	_ =	shalt  }
0x6b: {  	_ =	shalt  }
0x6c: {  	_ =	shalt  }
0x6d: {  	_ =	shalt  }
0x6e: {  	_ =	shalt  }
0x6f: {  	_ =	shalt  }
0x70: {  	_ =	shalt  }
0x71: {  	_ =	shalt  }
0x72: {  	_ =	shalt  }
0x73: {  	_ =	shalt  }
0x74: {  	_ =	shalt  }
0x75: {  	_ =	shalt  }
0x76: {  	_ =	shalt  }
0x77: {  	_ =	shalt  }
0x78: {  	_ =	shalt  }
0x79: {  	_ =	shalt  }
0x7a: {  	_ =	shalt  }
0x7b: {  	_ =	shalt  }
0x7c: {  	_ =	shalt  }
0x7d: {  	_ =	shalt  }
0x7e: {  	_ =	shalt  }
0x7f: {  	_ =	shalt  }
0x80: {  	_ =	shalt  }
0x81: {  	_ =	shalt  }
0x82: {  	_ =	shalt  }
0x83: {  	_ =	shalt  }
0x84: {  	_ =	shalt  }
0x85: {  	_ =	shalt  }
0x86: {  	_ =	shalt  }
0x87: {  	_ =	shalt  }
.Lfunc_end0:
.L_simem_size_0:
called_computation.2_lowered:
.L_overlay_start_0:
0x88: {  	s2 =	sld [smem:$0x3FD9]  }
0x89: {  	s3 =	sld [smem:$0x3FFE];
	_ =	sdelay $0x1  }
0x8a: {  	s1 =	srdreg.scid  }
0x8b: {  	s0 =	sand.u32 $0x1, s1  }
0x8c: {  	s17 =	sshll.u32 s0, $0xA;
	s2 =	sadd.s32 s3, s2  }
0x8d: {  	s2 =	sadd.s32 s2, s17  }
0x8e: {  	[smem:$0x3FC3] =	sst s2  }
0x8f: {  	_ = 	snop  }
0x90: {  	s2 =	sld [smem:$0x3FD0];
	(tm) =	ssettm $0x1  }
0x91: {  	s18 =	sld [smem:$0x3FFB];
	_ =	sdelay $0x3  }
0x92: {  	_ =	strace s18  }
0x93: {  	s3 =	sld [smem:$0x3FFC];
	_ =	sdelay $0x3  }
0x94: {  	_ =	strace s3  }
0x95: {  	s3 =	sld [smem:$0x3FFD];
	_ =	sdelay $0x3  }
0x96: {  	_ =	strace s3  }
0x97: {  	_ =	strace $0x8FFFFFFF  }
0x98: {  	s19 =	sld [smem:$0x3FDB];
	_ =	sdelay $0x1  }
0x99: {  	s4 =	simm.s32 $_scs_section_size  }
0x9a: {  	s5 =	simm.s32 $_size__tile_overlayer_lowered;
	s6 =	simm.s32 $_tile_overlayer_lowered  }
0x9b: {  	s22 =	simm.s32 $0x1BFF;
	s21 =	sshll.u32 s6, $0x1;
	s3 =	sadd.s32 s4, s19  }
0x9c: {  	s7 =	simm.s32 $0x0;
	s20 =	sshll.u32 s5, $0x1;
	s5 =	sadd.s32 s21, s3  }
0x9d: {  	[timem:s7], [sflag:s22] =	dma.local [hbm:s5], s20  }
0x9e: {  	_ =	swait.ge [sflag:s22], s20  }
0x9f: {  	s4 =	ssub.s32 $0x0, s20;
	[sflag:s22] =	ssyncset.done $0x0  }
0xa0: {  	[sflag:s22] =	ssyncadd.s32 s4;
	_ =	sdelay $0x1  }
0xa1: {  	s23 =	simm.s32 $0x1B8B  }
0xa2: {  	_ =	swait.ge [sflag:s23], $0x1  }
0xa3: {  	[sflag:s23] =	ssyncset.done $0x0  }
0xa4: {  	s25 =	simm.s32 $0x1B8E;
	s24 =	sld [smem:$0x3FFE];
	[sflag:s23] =	ssyncadd.s32 $0xFFFFFFFF  }
0xa5: {  	s26 =	simm.s32 $execute0_lowered;
	[smem:$0x3FD2] =	sst s25  }
0xa6: {  	s5 =	sshll.u32 s26, $0x1;
	_ =	strace $0x8000004C;
	[dreg:$0x1] =	wrdreg $0xFFFFFFFF  }
0xa7: {  	s28 =	simm.s32 $_size_execute0_lowered;
	s3 =	sadd.s32 s3, s5;
	[dreg:$0x0] =	wrdreg $0x0  }
0xa8: {  	s5 =	sshll.u32 s28, $0x1;
	[dreg:$0x2] =	wrdreg s3  }
0xa9: {  	[dreg:$0x3] =	wrdreg s5  }
0xaa: {  	[dreg:$0x4] =	wrdreg $0xC0  }
0xab: {  	_ =	task [dreg:s7], $0x5FFFF  }
0xac: {  	[dreg:$0x1] =	wrdreg $0xFFFFFFFF  }
0xad: {  	[dreg:$0x0] =	wrdreg $0x60  }
0xae: {  	[dreg:$0x2] =	wrdreg s24  }
0xaf: {  	[dreg:$0x3] =	wrdreg s2  }
0xb0: {  	[dreg:$0x4] =	wrdreg $0x9  }
0xb1: {  	_ =	task.clear_ibuf [dreg:s7], $0x5FFFF;
	_ =	strace $0x9000004C  }
0xb2: {  	s29 =	simm.s32 $0x9;
	_ =	strace $0x80000052  }
0xb3: {  	_ =	swait.ge [sflag:s29], $0x1  }
0xb4: {  	[sflag:s29] =	ssyncadd.s32 $0xFFFFFFFF  }
0xb5: {  	_ =	strace $0x90000052  }
0xb6: {  	_ =	sfence  }
0xb7: {  	s30 =	sld [smem:$0x0];
	_ =	sdelay $0x2  }
0xb8: {  	s31 =	sshll.u32 s1, $0xD;
	s1 =	sshrl.u32 s1, $0x2  }
0xb9: {  	s3 =	sand.u32 $0x4000, s31;
	s1 =	sadd.s32 s1, s30  }
0xba: {  	s0 =	sor.u32 s3, s0;
	s1 =	sshll.u32 s1, $0x11  }
0xbb: {  	s0 =	sor.u32 s1, s0  }
0xbc: {  	s0 =	sadd.s32 $0x8F2B, s0  }
0xbd: {  	[sflag:s0] =	ssyncadd.remote.s32 $0x1  }
0xbe: {  	_ =	sfence.sel $0xFFFF  }
0xbf: {  	[dreg:$0x0] =	wrdreg $0xFFFFFFFF;
	(pc) =	sbr.abs _section_cstart, $3  }
0xc0: {  	[dreg:$0x1] =	wrdreg $0xFFFFFFFF  }
0xc1: {  	_ =	task.clear_ibuf [dreg:s7], $0x2FFFF;
	_ =	strace $0x9FFFFFFF  }
0xc2: {  	(tm) =	ssettm $0x7FFFFFFF  }
0xc3: {  	_ =	shalt  }
tec
execute0_lowered:
.L_overlay_start_1:
0x0: {  	(tag) =	ssettag $0x1  }
0x1: {  	s0 =	rddreg [dreg:$0x0]  }
0x2: {  	s1 =	rddreg [dreg:$0x1];
	s2 =	simm.s32 $0x0  }
0x3: {  	s3 =	srdreg.scid;
	s5 =	stileid.u32;
	s12 =	simm.s32 $0x14A80  }
0x4: {  	s13 =	simm.s32 $0x80;
	s14 =	simm.s32 $0x200;
	s15 =	simm.s32 $0xA00  }
0x5: {  	s16 =	simm.s32 $0x400;
	s17 =	simm.s32 $0x8A00;
	s18 =	simm.s32 $0x280  }
0x6: {  	s19 =	simm.s32 $0x4A00;
	s20 =	simm.s32 $0x480;
	s21 =	simm.s32 $0xCA00  }
0x7: {  	s22 =	simm.s32 $0x1;
	s23 =	simm.s32 $0x10A00;
	s24 =	simm.s32 $0x300  }
0x8: {  	s25 =	simm.s32 $0x500;
	s28 =	simm.s32 $0x380;
	s29 =	simm.s32 $0x580  }
0x9: {  	s30 =	simm.s32 $0x0;
	[smem:$0x7FF] =	sst s2;
	s4 =	sand.u32 $0x1, s3  }
0xa: {  	s26 =	sshll.u32 s5, $0x1;
	s3 =	sadd.s32 $0x1400, s0;
	s5 =	sadd.s32 $0x2628600, s0  }
0xb: {  	_ =	strace $0x8000004D;
	s6 =	sor.u32 s4, s26;
	s7 =	ssub.s32 $0x2, s4  }
0xc: {  	v0 =	vlaneseq.u32;
	s4 =	sadd.s32 $0x2628400, s0;
	s26 =	simm.s32 $0x2;
	s31 =	sshll.u32 s6, $0x6  }
0xd: {  	v1 =	vand.u32 $0x3, v0;
	v5 =	vmul.u32 $0x20, v0;
	s9 =	sshrl.u32 s7, $0x1;
	s10 =	sshll.u32 s6, $0xB;
	s8 =	sadd.s32 s31, s0  }
0xe: {  	v2 =	vmul.u32 $0x80, v0;
	v1 =	vmul.u32 $0x20, v1;
	s9 =	ssub.s32 s7, s9;
	s7 =	sadd.s32 $0x3D1D00, s0;
	s6 =	sadd.s32 $0x2627C00, s8  }
0xf: {  	v3 =	vor.u32 $0x1000, v5;
	v4 =	vor.u32 $0x2000, v5;
	v5 =	vor.u32 $0x3000, v5;
	s8 =	sadd.s32 s1, s10;
	s9 =	smax.u32 s9, $0x1;
	s10 =	simm.s32 $0x3  }
.LBB2_1:
0x10: {  	_ =	strace $0x8000004E  }
0x11: {  	[tilespmem:s2], [sflag:$0x3] =	stream.linear.gather [hbm4b:s6+s2], $0x200, $0x200038;
	[tilespmem:$0x14B00] =	vst v63  }
0x12: {  	_ =	swait.ge [sflag:s10], $0x200  }
0x13: {  	[sflag:s10] =	ssyncset.done $0x0  }
0x14: {  	s0 =	simm.s32 $0x14A00;
	[sflag:s10] =	ssyncadd.s32 $0xFFFFFE00  }
0x15: {  	[tilespmem:s0], [sflag:$0x3] =	stream.linear.gather [hbm4b:s4+s2], $0x80, $0x200038;
	[tilespmem:$0x14B00] =	vst v63  }
0x16: {  	_ =	swait.ge [sflag:s10], $0x80  }
0x17: {  	[sflag:s10] =	ssyncset.done $0x0  }
0x18: {  	[sflag:s10] =	ssyncadd.s32 $0xFFFFFF80  }
0x19: {  	[tilespmem:s12], [sflag:$0x3] =	stream.linear.gather [hbm4b:s5+s2], $0x80, $0x200038;
	[tilespmem:$0x14B00] =	vst v63  }
0x1a: {  	_ =	swait.ge [sflag:s10], $0x80  }
0x1b: {  	[sflag:s10] =	ssyncset.done $0x0  }
0x1c: {  	[sflag:s10] =	ssyncadd.s32 $0xFFFFFF80  }
0x1d: {  	_ =	strace $0x9000004E  }
0x1e: {  	v7 =	vld [tilespmem:$0x14A00]  }
0x1f: {  	v10 =	vld [tilespmem:$0x14A10]  }
0x20: {  	v6 =	vld [tilespmem:$0x14A20]  }
0x21: {  	v9 =	vld [tilespmem:$0x14A30]  }
0x22: {  	v11 =	vld [tilespmem:$0x14A40]  }
0x23: {  	s0 =	simm.s32 $0x0;
	v8 =	vld [tilespmem:$0x14A50];
	_ =	strace $0x8000004F  }
0x24: {  	v12 =	vld [tilespmem:s0+$0x0];
	_ =	sdelay $0x4  }
0x25: {  	v13 =	vcvt.s32.f32 v12;
	_ =	sdelay $0x1  }
0x26: {  	v13 =	vmul.f32 $9.999999970e-07, v13;
	_ =	sdelay $0x1  }
0x27: {  	v13 =	vtrunc.f32 v13  }
0x28: {  	v13 =	vcvt.f32.s32 v13;
	_ =	sdelay $0x1  }
0x29: {  	v13 =	vmul.u32 $0xFFF0BDC0, v13;
	_ =	sdelay $0x1  }
0x2a: {  	v12 =	vadd.s32 v12, v13  }
0x2b: {  	vm0 =	vlt.s32 v12, $0x0;
	v13 =	vadd.s32 $0xF4240, v12  }
0x2c: {  	v12 =	vsel vm0, v13, v12  }
0x2d: {  	s31 =	simm.s32 $0x10;
	vm0 =	vgt.s32 v12, $0xF423F;
	v13 =	vadd.s32 $0xFFF0BDC0, v12  }
0x2e: {  	v14 =	vld [tilespmem:s31+$0x0];
	v12 =	vsel vm0, v13, v12  }
0x2f: {  	v13 =	vshra.s32 v12, $0xA  }
0x30: {  	v12 =	vand.u32 $0x3FF, v12;
	v15 =	vmul.u32 v11, v13  }
0x31: {  	v13 =	vmul.u32 v10, v13;
	v16 =	vmul.u32 v9, v12  }
0x32: {  	v12 =	vmul.u32 v7, v12;
	v15 =	vadd.s32 v8, v15  }
0x33: {  	v17 =	vcvt.s32.f32 v14;
	v13 =	vadd.s32 v6, v13;
	v15 =	vadd.s32 v16, v15  }
0x34: {  	v12 =	vadd.s32 v12, v13;
	v13 =	vcvt.s32.f32 v15  }
0x35: {  	v16 =	vmul.f32 $9.999999970e-07, v17;
	v17 =	vcvt.s32.f32 v12  }
0x36: {  	v13 =	vmul.f32 $9.999999970e-07, v13  }
0x37: {  	v16 =	vtrunc.f32 v16;
	v17 =	vmul.f32 $9.999999970e-07, v17  }
0x38: {  	v16 =	vcvt.f32.s32 v16;
	v13 =	vtrunc.f32 v13  }
0x39: {  	v17 =	vtrunc.f32 v17;
	v13 =	vcvt.f32.s32 v13  }
0x3a: {  	v16 =	vmul.u32 $0xFFF0BDC0, v16;
	v17 =	vcvt.f32.s32 v17  }
0x3b: {  	v18 =	vmul.u32 $0xFFF0BDC0, v13  }
0x3c: {  	v14 =	vadd.s32 v14, v16;
	v13 =	vmul.u32 $0xFFF0BDC0, v17  }
0x3d: {  	vm0 =	vlt.s32 v14, $0x0;
	v16 =	vadd.s32 $0xF4240, v14;
	v15 =	vadd.s32 v15, v18  }
0x3e: {  	v14 =	vsel vm0, v16, v14;
	vm1 =	vlt.s32 v15, $0x0;
	v17 =	vadd.s32 $0xF4240, v15  }
0x3f: {  	s1 =	simm.s32 $0x20;
	s11 =	simm.s32 $0xC0;
	vm0 =	vgt.s32 v14, $0xF423F;
	v16 =	vadd.s32 $0xFFF0BDC0, v14;
	v15 =	vsel vm1, v17, v15  }
.LBB2_2:
0x40: {  	p0 =	sne.s32 s11, $0x7C0;
	v17 =	vld [tilespmem:s1+$0x0];
	v14 =	vsel vm0, v16, v14;
	vm0 =	vgt.s32 v15, $0xF423F;
	v16 =	vadd.s32 $0xFFF0BDC0, v15  }
0x41: {  	v13 =	vadd.s32 v12, v13;
	v18 =	vshra.s32 v14, $0xA;
	v15 =	vsel vm0, v16, v15  }
0x42: {  	v12 =	vand.u32 $0x3FF, v14;
	v14 =	vmul.u32 v11, v18;
	v16 =	vshll.u32 v15, $0x5  }
0x43: {  	v18 =	vmul.u32 v10, v18;
	v19 =	vmul.u32 v9, v12;
	v16 =	vand.u32 $0x60, v16  }
0x44: {  	vm0 =	vlt.s32 v13, $0x0;
	v12 =	vmul.u32 v7, v12;
	v14 =	vadd.s32 v8, v14;
	[tilespmem:s0+$0x800] =	vst v16  }
0x45: {  	v18 =	vadd.s32 v6, v18;
	v16 =	vcvt.s32.f32 v17;
	v14 =	vadd.s32 v19, v14  }
0x46: {  	v12 =	vadd.s32 v12, v18;
	v19 =	vadd.s32 $0xF4240, v13;
	v18 =	vcvt.s32.f32 v14  }
0x47: {  	v20 =	vcvt.s32.f32 v12;
	v13 =	vsel vm0, v19, v13;
	v16 =	vmul.f32 $9.999999970e-07, v16  }
0x48: {  	vm0 =	vgt.s32 v13, $0xF423F;
	v19 =	vadd.s32 $0xFFF0BDC0, v13;
	v18 =	vmul.f32 $9.999999970e-07, v18  }
0x49: {  	v20 =	vmul.f32 $9.999999970e-07, v20;
	v13 =	vsel vm0, v19, v13;
	v16 =	vtrunc.f32 v16  }
0x4a: {  	v19 =	vshll.u32 v13, $0x5;
	v16 =	vcvt.f32.s32 v16;
	v18 =	vtrunc.f32 v18  }
0x4b: {  	v20 =	vtrunc.f32 v20;
	v19 =	vand.u32 $0x60, v19;
	v18 =	vcvt.f32.s32 v18  }
0x4c: {  	v13 =	vshra.s32 v13, $0x2;
	v20 =	vcvt.f32.s32 v20;
	v16 =	vmul.u32 $0xFFF0BDC0, v16;
	[tilespmem:s0+$0x600] =	vst v19  }
.Ltmp0:
0x4d: {  	v15 =	vshra.s32 v15, $0x2;
	v18 =	vmul.u32 $0xFFF0BDC0, v18;
	[tilespmem:s0+$0x200] =	vst v13;
	(pc) =	sbr.rel @p0 .LBB2_2-.Ltmp0, $4  }
0x4e: {  	v13 =	vmul.u32 $0xFFF0BDC0, v20;
	v16 =	vadd.s32 v17, v16;
	[tilespmem:s0+$0x400] =	vst v15;
	s0 =	smov.u32 s31;
	s31 =	smov.u32 s1  }
0x4f: {  	vm0 =	vlt.s32 v16, $0x0;
	v15 =	vadd.s32 $0xF4240, v16;
	v17 =	vadd.s32 v14, v18  }
0x50: {  	v14 =	vsel vm0, v15, v16;
	vm1 =	vlt.s32 v17, $0x0;
	v15 =	vadd.s32 $0xF4240, v17  }
0x51: {  	s1 =	sshra.s32 s11, $0x2;
	s11 =	sadd.s32 $0x40, s11;
	vm0 =	vgt.s32 v14, $0xF423F;
	v16 =	vadd.s32 $0xFFF0BDC0, v14;
	v15 =	vsel vm1, v15, v17  }
0x52: {  	v17 =	vld [tilespmem:s1+$0x0];
	_ =	sdelay $0x3  }
0x53: {  	v14 =	vsel vm0, v16, v14  }
0x54: {  	vm7 =	vgt.s32 v15, $0xF423F;
	v38 =	vadd.s32 $0xFFF0BDC0, v15;
	v18 =	vcvt.s32.f32 v17  }
0x55: {  	v12 =	vadd.s32 v12, v13;
	v19 =	vshra.s32 v14, $0xA;
	v14 =	vand.u32 $0x3FF, v14  }
0x56: {  	v15 =	vsel vm7, v38, v15;
	vm8 =	vlt.s32 v12, $0x0;
	v18 =	vmul.f32 $9.999999970e-07, v18  }
0x57: {  	v44 =	vadd.s32 $0xF4240, v12;
	v40 =	vmul.u32 v11, v19;
	v41 =	vmul.u32 v10, v19  }
0x58: {  	v42 =	vmul.u32 v9, v14;
	v14 =	vmul.u32 v7, v14;
	v39 =	vtrunc.f32 v18  }
0x59: {  	v12 =	vsel vm8, v44, v12;
	v20 =	vshll.u32 v15, $0x5;
	v13 =	vcvt.f32.s32 v39  }
0x5a: {  	v15 =	vshra.s32 v15, $0x2;
	vm10 =	vgt.s32 v12, $0xF423F;
	v47 =	vadd.s32 $0xFFF0BDC0, v12  }
0x5b: {  	v20 =	vand.u32 $0x60, v20;
	v18 =	vadd.s32 v8, v40;
	v13 =	vmul.u32 $0xFFF0BDC0, v13  }
0x5c: {  	v16 =	vadd.s32 v6, v41;
	v12 =	vsel vm10, v47, v12;
	v18 =	vadd.s32 v42, v18  }
0x5d: {  	v14 =	vadd.s32 v14, v16;
	v43 =	vcvt.s32.f32 v18;
	v13 =	vadd.s32 v17, v13  }
0x5e: {  	v46 =	vcvt.s32.f32 v14;
	vm1 =	vlt.s32 v13, $0x0;
	v45 =	vadd.s32 $0xF4240, v13  }
0x5f: {  	v51 =	vshll.u32 v12, $0x5;
	v16 =	vmul.f32 $9.999999970e-07, v43;
	v13 =	vsel vm1, v45, v13  }
0x60: {  	v17 =	vmul.f32 $9.999999970e-07, v46;
	vm9 =	vgt.s32 v13, $0xF423F;
	v19 =	vadd.s32 $0xFFF0BDC0, v13  }
0x61: {  	v12 =	vshra.s32 v12, $0x2;
	v16 =	vtrunc.f32 v16;
	v13 =	vsel vm9, v19, v13  }
0x62: {  	v16 =	vcvt.f32.s32 v16;
	v17 =	vtrunc.f32 v17;
	v48 =	vshra.s32 v13, $0xA  }
0x63: {  	v17 =	vcvt.f32.s32 v17;
	v13 =	vand.u32 $0x3FF, v13;
	v49 =	vmul.u32 v11, v48  }
0x64: {  	v19 =	vand.u32 $0x60, v51;
	v50 =	vmul.u32 v10, v48;
	v52 =	vmul.u32 v9, v13  }
0x65: {  	v16 =	vmul.u32 $0xFFF0BDC0, v16;
	v7 =	vmul.u32 v7, v13;
	v8 =	vadd.s32 v8, v49  }
0x66: {  	v54 =	vmul.u32 $0xFFF0BDC0, v17;
	v6 =	vadd.s32 v6, v50;
	v8 =	vadd.s32 v52, v8  }
0x67: {  	v16 =	vadd.s32 v18, v16;
	v6 =	vadd.s32 v7, v6;
	v7 =	vcvt.s32.f32 v8  }
0x68: {  	vm11 =	vlt.s32 v16, $0x0;
	v53 =	vadd.s32 $0xF4240, v16;
	v55 =	vcvt.s32.f32 v6  }
0x69: {  	v10 =	vadd.s32 v14, v54;
	v9 =	vsel vm11, v53, v16;
	v7 =	vmul.f32 $9.999999970e-07, v7  }
0x6a: {  	vm12 =	vlt.s32 v10, $0x0;
	v57 =	vadd.s32 $0xF4240, v10;
	v11 =	vmul.f32 $9.999999970e-07, v55  }
0x6b: {  	vm0 =	vgt.s32 v9, $0xF423F;
	v56 =	vadd.s32 $0xFFF0BDC0, v9;
	v7 =	vtrunc.f32 v7  }
0x6c: {  	v10 =	vsel vm12, v57, v10;
	v11 =	vtrunc.f32 v11;
	v7 =	vcvt.f32.s32 v7  }
0x6d: {  	v9 =	vsel vm0, v56, v9;
	vm0 =	vgt.s32 v10, $0xF423F;
	v11 =	vcvt.f32.s32 v11  }
0x6e: {  	v13 =	vadd.s32 $0xFFF0BDC0, v10;
	v58 =	vshll.u32 v9, $0x5;
	v7 =	vmul.u32 $0xFFF0BDC0, v7  }
0x6f: {  	[tilespmem:s0+$0x400] =	vst v15;
	v10 =	vsel vm0, v13, v10;
	v9 =	vshra.s32 v9, $0x2;
	v11 =	vmul.u32 $0xFFF0BDC0, v11  }
0x70: {  	[tilespmem:s0+$0x800] =	vst v20;
	v59 =	vand.u32 $0x60, v58;
	v60 =	vshll.u32 v10, $0x5;
	v7 =	vadd.s32 v8, v7  }
0x71: {  	[tilespmem:s0+$0x200] =	vst v12;
	v6 =	vadd.s32 v6, v11;
	vm13 =	vlt.s32 v7, $0x0;
	v8 =	vadd.s32 $0xF4240, v7  }
0x72: {  	[tilespmem:s0+$0x600] =	vst v19;
	v10 =	vshra.s32 v10, $0x2;
	vm14 =	vlt.s32 v6, $0x0;
	v7 =	vsel vm13, v8, v7  }
0x73: {  	[tilespmem:s31+$0x400] =	vst v9;
	v8 =	vadd.s32 $0xF4240, v6;
	vm15 =	vgt.s32 v7, $0xF423F;
	v61 =	vadd.s32 $0xFFF0BDC0, v7  }
0x74: {  	v14 =	vand.u32 $0x60, v60;
	[tilespmem:s31+$0x800] =	vst v59;
	v6 =	vsel vm14, v8, v6;
	v7 =	vsel vm15, v61, v7  }
0x75: {  	[tilespmem:s31+$0x200] =	vst v10;
	vm0 =	vgt.s32 v6, $0xF423F;
	v8 =	vadd.s32 $0xFFF0BDC0, v6;
	v62 =	vshll.u32 v7, $0x5  }
0x76: {  	[tilespmem:s31+$0x600] =	vst v14;
	v6 =	vsel vm0, v8, v6;
	v8 =	vand.u32 $0x60, v62  }
0x77: {  	v63 =	vshll.u32 v6, $0x5;
	v6 =	vshra.s32 v6, $0x2;
	[tilespmem:s1+$0x800] =	vst v8  }
0x78: {  	v8 =	vand.u32 $0x60, v63;
	[tilespmem:s1+$0x200] =	vst v6  }
0x79: {  	v6 =	vshra.s32 v7, $0x2;
	[tilespmem:s1+$0x600] =	vst v8  }
0x7a: {  	[tilespmem:s1+$0x400] =	vst v6  }
0x7b: {  	_ =	strace $0x9000004F  }
0x7c: {  	v6 =	vld [tilespmem:$0x14A80]  }
0x7d: {  	v7 =	vld [tilespmem:$0x14A90];
	_ =	strace $0x80000050  }
0x7e: {  	[tilespmem:s15], [sflag:$0x1] =	stream.indirect.gather [hbm4b:s3+s13], $0x80, s14, s13, $0x2000b8;
	[tilespmem:$0x14B00] =	vst v63  }
0x7f: {  	_ = 	snop  }
0x80: {  	[tilespmem:s17], [sflag:$0x1] =	stream.indirect.gather [hbm4b:s7+s13], $0x80, s16, s13, $0x2000b8;
	[tilespmem:$0x14B00] =	vst v63  }
0x81: {  	_ = 	snop  }
0x82: {  	[tilespmem:s19], [sflag:$0x2] =	stream.indirect.gather [hbm4b:s3+s13], $0x80, s18, s13, $0x2000b8;
	[tilespmem:$0x14B00] =	vst v63  }
0x83: {  	_ = 	snop  }
0x84: {  	[tilespmem:s21], [sflag:$0x2] =	stream.indirect.gather [hbm4b:s7+s13], $0x80, s20, s13, $0x2000b8;
	[tilespmem:$0x14B00] =	vst v63  }
0x85: {  	_ =	swait.ge [sflag:s22], $0x4000  }
0x86: {  	[sflag:s22] =	ssyncset.done $0x0  }
0x87: {  	[sflag:s22] =	ssyncadd.s32 $0xFFFFC000  }
0x88: {  	_ =	swait.ge [sflag:s22], $0x4000  }
0x89: {  	[sflag:s22] =	ssyncset.done $0x0  }
0x8a: {  	s0 =	simm.s32 $0x0;
	s1 =	simm.s32 $0x0;
	[sflag:s22] =	ssyncadd.s32 $0xFFFFC000  }
.LBB2_4:
0x8b: {  	s11 =	sshll.u32 s1, $0x4  }
0x8c: {  	v8 =	vld [tilespmem:s11+$0x600]  }
0x8d: {  	v10 =	vld [tilespmem:s11+$0x800];
	_ =	sdelay $0x3  }
0x8e: {  	v11 =	vor.u32 s11, v0;
	v12 =	vadd.s32 s0, v8  }
0x8f: {  	v9 =	vshll.u32 v11, $0x7;
	v13 =	vadd.s32 s0, v10;
	v14 =	vand.u32 $0xFFFFFF80, v12  }
0x90: {  	v12 =	vand.u32 $0x7F, v12;
	v15 =	vand.u32 $0xFFFFFF80, v13;
	v14 =	vadd.s32 v9, v14  }
0x91: {  	v13 =	vand.u32 $0x7F, v13;
	v15 =	vadd.s32 v9, v15;
	v12 =	vor.u32 v12, v14  }
0x92: {  	v14 =	vor.u32 v13, v15;
	_ =	sdelay $0x3  }
0x93: {  	v13 =	vld.idx.msk [tilespmem:v12+s15+$0x0], $0xffff  }
0x94: {  	s11 =	simm.s32 $0x1;
	v11 =	vshll.u32 v11, $0x5;
	v14 =	vld.idx.msk [tilespmem:v14+s17+$0x0], $0xffff  }
0x95: {  	v11 =	vand.u32 $0xF80, v11;
	v16 =	vadd.s32 s11, v8  }
0x96: {  	v11 =	vor.u32 v1, v11;
	v17 =	vand.u32 $0xFFFFFF80, v16;
	v15 =	vadd.s32 s11, v10  }
0x97: {  	s31 =	simm.s32 $0x2;
	v16 =	vand.u32 $0x7F, v16;
	v18 =	vand.u32 $0xFFFFFF80, v15;
	v12 =	vor.u32 s0, v11  }
.LBB2_5:
0x98: {  	p0 =	sne.s32 s31, $0x1F;
	v17 =	vadd.s32 v9, v17;
	v15 =	vand.u32 $0x7F, v15;
	v18 =	vadd.s32 v9, v18  }
0x99: {  	v13 =	vmul.f32 v13, v6;
	v14 =	vmul.f32 v14, v7;
	v16 =	vor.u32 v16, v17  }
0x9a: {  	v15 =	vor.u32 v15, v18  }
0x9b: {  	v13 =	vadd.f32 v14, v13;
	_ =	sdelay $0x1  }
0x9c: {  	[tilespmem:v12+s23+$0x0] =	vst.idx.msk $0xffff, v13  }
0x9d: {  	v13 =	vld.idx.msk [tilespmem:v16+s15+$0x0], $0xffff  }
.Ltmp1:
0x9e: {  	v14 =	vld.idx.msk [tilespmem:v15+s17+$0x0], $0xffff;
	(pc) =	sbr.rel @p0 .LBB2_5-.Ltmp1, $3  }
0x9f: {  	_ =	sdelay $0x1  }
0xa0: {  	v12 =	vor.u32 s11, v11;
	s11 =	smov.u32 s31;
	v16 =	vadd.s32 s31, v8;
	v15 =	vadd.s32 s31, v10  }
0xa1: {  	v17 =	vand.u32 $0xFFFFFF80, v16;
	v16 =	vand.u32 $0x7F, v16;
	s31 =	sadd.s32 $0x1, s31;
	v18 =	vand.u32 $0xFFFFFF80, v15  }
0xa2: {  	v8 =	vadd.s32 v9, v17;
	v10 =	vand.u32 $0x7F, v15;
	v61 =	vadd.s32 v9, v18  }
0xa3: {  	v13 =	vmul.f32 v13, v6;
	v14 =	vmul.f32 v14, v7;
	v8 =	vor.u32 v16, v8  }
0xa4: {  	v9 =	vor.u32 v10, v61  }
0xa5: {  	v62 =	vadd.f32 v14, v13;
	_ =	sdelay $0x1  }
0xa6: {  	[tilespmem:v12+s23+$0x0] =	vst.idx.msk $0xffff, v62  }
0xa7: {  	v8 =	vld.idx.msk [tilespmem:v8+s15+$0x0], $0xffff  }
0xa8: {  	v9 =	vld.idx.msk [tilespmem:v9+s17+$0x0], $0xffff;
	_ =	sdelay $0x2  }
0xa9: {  	s1 =	sadd.s32 $0x1, s1  }
0xaa: {  	v63 =	vor.u32 s11, v11;
	p0 =	sne.s32 s1, $0x8  }
.Ltmp2:
0xab: {  	v8 =	vmul.f32 v8, v6;
	v9 =	vmul.f32 v9, v7;
	(pc) =	sbr.rel @p0 .LBB2_4-.Ltmp2, $3  }
0xac: {  	_ = 	snop  }
0xad: {  	v8 =	vadd.f32 v9, v8;
	_ =	sdelay $0x1  }
0xae: {  	[tilespmem:v63+s23+$0x0] =	vst.idx.msk $0xffff, v8  }
0xaf: {  	[tilespmem:s15], [sflag:$0x1] =	stream.indirect.gather [hbm4b:s3+s13], $0x80, s24, s13, $0x2000b8;
	[tilespmem:$0x14B00] =	vst v63  }
0xb0: {  	_ = 	snop  }
0xb1: {  	[tilespmem:s17], [sflag:$0x1] =	stream.indirect.gather [hbm4b:s7+s13], $0x80, s25, s13, $0x2000b8;
	[tilespmem:$0x14B00] =	vst v63  }
0xb2: {  	_ =	swait.ge [sflag:s26], $0x4000  }
0xb3: {  	[sflag:s26] =	ssyncset.done $0x0  }
0xb4: {  	[sflag:s26] =	ssyncadd.s32 $0xFFFFC000  }
0xb5: {  	_ =	swait.ge [sflag:s26], $0x4000  }
0xb6: {  	[sflag:s26] =	ssyncset.done $0x0  }
0xb7: {  	s0 =	simm.s32 $0x0;
	s1 =	simm.s32 $0x0;
	[sflag:s26] =	ssyncadd.s32 $0xFFFFC000  }
.LBB2_8:
0xb8: {  	s11 =	sshll.u32 s1, $0x4  }
0xb9: {  	v8 =	vld [tilespmem:s11+$0x680]  }
0xba: {  	v9 =	vld [tilespmem:s11+$0x880];
	_ =	sdelay $0x2  }
0xbb: {  	v11 =	vmov s11  }
0xbc: {  	v10 =	vshll.u32 v11, $0x7;
	v12 =	vadd.s32 s0, v8  }
0xbd: {  	v10 =	vor.u32 v2, v10;
	v13 =	vadd.s32 s0, v9;
	v14 =	vand.u32 $0xFFFFFF80, v12  }
0xbe: {  	v12 =	vand.u32 $0x7F, v12;
	v15 =	vand.u32 $0xFFFFFF80, v13;
	v14 =	vadd.s32 v10, v14  }
0xbf: {  	v13 =	vand.u32 $0x7F, v13;
	v15 =	vadd.s32 v10, v15;
	v12 =	vor.u32 v12, v14  }
0xc0: {  	v14 =	vor.u32 v13, v15;
	_ =	sdelay $0x3  }
0xc1: {  	v11 =	vshll.u32 v11, $0x5;
	v13 =	vld.idx.msk [tilespmem:v12+s19+$0x0], $0xffff  }
0xc2: {  	s11 =	simm.s32 $0x1;
	v11 =	vadd.s32 v3, v11;
	v14 =	vld.idx.msk [tilespmem:v14+s21+$0x0], $0xffff  }
0xc3: {  	v11 =	vand.u32 $0x1F80, v11;
	v16 =	vadd.s32 s11, v8  }
0xc4: {  	v11 =	vor.u32 v1, v11;
	v17 =	vand.u32 $0xFFFFFF80, v16;
	v15 =	vadd.s32 s11, v9  }
0xc5: {  	s31 =	simm.s32 $0x2;
	v16 =	vand.u32 $0x7F, v16;
	v18 =	vand.u32 $0xFFFFFF80, v15;
	v12 =	vor.u32 s0, v11  }
.LBB2_9:
0xc6: {  	p0 =	sne.s32 s31, $0x1F;
	v17 =	vadd.s32 v10, v17;
	v15 =	vand.u32 $0x7F, v15;
	v18 =	vadd.s32 v10, v18  }
0xc7: {  	v13 =	vmul.f32 v13, v6;
	v14 =	vmul.f32 v14, v7;
	v16 =	vor.u32 v16, v17  }
0xc8: {  	v15 =	vor.u32 v15, v18  }
0xc9: {  	v13 =	vadd.f32 v14, v13;
	_ =	sdelay $0x1  }
0xca: {  	[tilespmem:v12+s23+$0x0] =	vst.idx.msk $0xffff, v13  }
0xcb: {  	v13 =	vld.idx.msk [tilespmem:v16+s19+$0x0], $0xffff  }
.Ltmp3:
0xcc: {  	v14 =	vld.idx.msk [tilespmem:v15+s21+$0x0], $0xffff;
	(pc) =	sbr.rel @p0 .LBB2_9-.Ltmp3, $3  }
0xcd: {  	_ =	sdelay $0x1  }
0xce: {  	v12 =	vor.u32 s11, v11;
	s11 =	smov.u32 s31;
	v16 =	vadd.s32 s31, v8;
	v15 =	vadd.s32 s31, v9  }
0xcf: {  	v17 =	vand.u32 $0xFFFFFF80, v16;
	v16 =	vand.u32 $0x7F, v16;
	s31 =	sadd.s32 $0x1, s31;
	v18 =	vand.u32 $0xFFFFFF80, v15  }
0xd0: {  	v8 =	vadd.s32 v10, v17;
	v9 =	vand.u32 $0x7F, v15;
	v61 =	vadd.s32 v10, v18  }
0xd1: {  	v13 =	vmul.f32 v13, v6;
	v14 =	vmul.f32 v14, v7;
	v8 =	vor.u32 v16, v8  }
0xd2: {  	v9 =	vor.u32 v9, v61  }
0xd3: {  	v62 =	vadd.f32 v14, v13;
	_ =	sdelay $0x1  }
0xd4: {  	[tilespmem:v12+s23+$0x0] =	vst.idx.msk $0xffff, v62  }
0xd5: {  	v8 =	vld.idx.msk [tilespmem:v8+s19+$0x0], $0xffff  }
0xd6: {  	v9 =	vld.idx.msk [tilespmem:v9+s21+$0x0], $0xffff;
	_ =	sdelay $0x2  }
0xd7: {  	s1 =	sadd.s32 $0x1, s1  }
0xd8: {  	v63 =	vor.u32 s11, v11;
	p0 =	sne.s32 s1, $0x8  }
.Ltmp4:
0xd9: {  	v8 =	vmul.f32 v8, v6;
	v9 =	vmul.f32 v9, v7;
	(pc) =	sbr.rel @p0 .LBB2_8-.Ltmp4, $3  }
0xda: {  	_ = 	snop  }
0xdb: {  	v8 =	vadd.f32 v9, v8;
	_ =	sdelay $0x1  }
0xdc: {  	[tilespmem:v63+s23+$0x0] =	vst.idx.msk $0xffff, v8  }
0xdd: {  	[tilespmem:s19], [sflag:$0x2] =	stream.indirect.gather [hbm4b:s3+s13], $0x80, s28, s13, $0x2000b8;
	[tilespmem:$0x14B00] =	vst v63  }
0xde: {  	_ = 	snop  }
0xdf: {  	[tilespmem:s21], [sflag:$0x2] =	stream.indirect.gather [hbm4b:s7+s13], $0x80, s29, s13, $0x2000b8;
	[tilespmem:$0x14B00] =	vst v63  }
0xe0: {  	_ =	swait.ge [sflag:s22], $0x4000  }
0xe1: {  	[sflag:s22] =	ssyncset.done $0x0  }
0xe2: {  	[sflag:s22] =	ssyncadd.s32 $0xFFFFC000  }
0xe3: {  	_ =	swait.ge [sflag:s22], $0x4000  }
0xe4: {  	[sflag:s22] =	ssyncset.done $0x0  }
0xe5: {  	s0 =	simm.s32 $0x0;
	s1 =	simm.s32 $0x0;
	[sflag:s22] =	ssyncadd.s32 $0xFFFFC000  }
.LBB2_12:
0xe6: {  	s11 =	sshll.u32 s1, $0x4  }
0xe7: {  	v8 =	vld [tilespmem:s11+$0x700]  }
0xe8: {  	v9 =	vld [tilespmem:s11+$0x900];
	_ =	sdelay $0x2  }
0xe9: {  	v11 =	vmov s11  }
0xea: {  	v10 =	vshll.u32 v11, $0x7;
	v12 =	vadd.s32 s0, v8  }
0xeb: {  	v10 =	vor.u32 v2, v10;
	v13 =	vadd.s32 s0, v9;
	v14 =	vand.u32 $0xFFFFFF80, v12  }
0xec: {  	v12 =	vand.u32 $0x7F, v12;
	v15 =	vand.u32 $0xFFFFFF80, v13;
	v14 =	vadd.s32 v10, v14  }
0xed: {  	v13 =	vand.u32 $0x7F, v13;
	v15 =	vadd.s32 v10, v15;
	v12 =	vor.u32 v12, v14  }
0xee: {  	v14 =	vor.u32 v13, v15;
	_ =	sdelay $0x3  }
0xef: {  	v11 =	vshll.u32 v11, $0x5;
	v13 =	vld.idx.msk [tilespmem:v12+s15+$0x0], $0xffff  }
0xf0: {  	s11 =	simm.s32 $0x1;
	v11 =	vadd.s32 v4, v11;
	v14 =	vld.idx.msk [tilespmem:v14+s17+$0x0], $0xffff  }
0xf1: {  	v11 =	vand.u32 $0x2F80, v11;
	v16 =	vadd.s32 s11, v8  }
0xf2: {  	v11 =	vor.u32 v1, v11;
	v17 =	vand.u32 $0xFFFFFF80, v16;
	v15 =	vadd.s32 s11, v9  }
0xf3: {  	s31 =	simm.s32 $0x2;
	v16 =	vand.u32 $0x7F, v16;
	v18 =	vand.u32 $0xFFFFFF80, v15;
	v12 =	vor.u32 s0, v11  }
.LBB2_13:
0xf4: {  	p0 =	sne.s32 s31, $0x1F;
	v17 =	vadd.s32 v10, v17;
	v15 =	vand.u32 $0x7F, v15;
	v18 =	vadd.s32 v10, v18  }
0xf5: {  	v13 =	vmul.f32 v13, v6;
	v14 =	vmul.f32 v14, v7;
	v16 =	vor.u32 v16, v17  }
0xf6: {  	v15 =	vor.u32 v15, v18  }
0xf7: {  	v13 =	vadd.f32 v14, v13;
	_ =	sdelay $0x1  }
0xf8: {  	[tilespmem:v12+s23+$0x0] =	vst.idx.msk $0xffff, v13  }
0xf9: {  	v13 =	vld.idx.msk [tilespmem:v16+s15+$0x0], $0xffff  }
.Ltmp5:
0xfa: {  	v14 =	vld.idx.msk [tilespmem:v15+s17+$0x0], $0xffff;
	(pc) =	sbr.rel @p0 .LBB2_13-.Ltmp5, $3  }
0xfb: {  	_ =	sdelay $0x1  }
0xfc: {  	v12 =	vor.u32 s11, v11;
	s11 =	smov.u32 s31;
	v16 =	vadd.s32 s31, v8;
	v15 =	vadd.s32 s31, v9  }
0xfd: {  	v17 =	vand.u32 $0xFFFFFF80, v16;
	v16 =	vand.u32 $0x7F, v16;
	s31 =	sadd.s32 $0x1, s31;
	v18 =	vand.u32 $0xFFFFFF80, v15  }
0xfe: {  	v8 =	vadd.s32 v10, v17;
	v9 =	vand.u32 $0x7F, v15;
	v61 =	vadd.s32 v10, v18  }
0xff: {  	v13 =	vmul.f32 v13, v6;
	v14 =	vmul.f32 v14, v7;
	v8 =	vor.u32 v16, v8  }
0x100: {  	v9 =	vor.u32 v9, v61  }
0x101: {  	v62 =	vadd.f32 v14, v13;
	_ =	sdelay $0x1  }
0x102: {  	[tilespmem:v12+s23+$0x0] =	vst.idx.msk $0xffff, v62  }
0x103: {  	v8 =	vld.idx.msk [tilespmem:v8+s15+$0x0], $0xffff  }
0x104: {  	v9 =	vld.idx.msk [tilespmem:v9+s17+$0x0], $0xffff;
	_ =	sdelay $0x2  }
0x105: {  	s1 =	sadd.s32 $0x1, s1  }
0x106: {  	v63 =	vor.u32 s11, v11;
	p0 =	sne.s32 s1, $0x8  }
.Ltmp6:
0x107: {  	v8 =	vmul.f32 v8, v6;
	v9 =	vmul.f32 v9, v7;
	(pc) =	sbr.rel @p0 .LBB2_12-.Ltmp6, $3  }
0x108: {  	_ = 	snop  }
0x109: {  	v8 =	vadd.f32 v9, v8;
	_ =	sdelay $0x1  }
0x10a: {  	[tilespmem:v63+s23+$0x0] =	vst.idx.msk $0xffff, v8  }
0x10b: {  	_ =	swait.ge [sflag:s26], $0x4000  }
0x10c: {  	[sflag:s26] =	ssyncset.done $0x0  }
0x10d: {  	[sflag:s26] =	ssyncadd.s32 $0xFFFFC000  }
0x10e: {  	_ =	swait.ge [sflag:s26], $0x4000  }
0x10f: {  	[sflag:s26] =	ssyncset.done $0x0  }
0x110: {  	s0 =	simm.s32 $0x0;
	s1 =	simm.s32 $0x0;
	[sflag:s26] =	ssyncadd.s32 $0xFFFFC000  }
.LBB2_16:
0x111: {  	s11 =	sshll.u32 s1, $0x4  }
0x112: {  	v8 =	vld [tilespmem:s11+$0x780]  }
0x113: {  	v9 =	vld [tilespmem:s11+$0x980];
	_ =	sdelay $0x2  }
0x114: {  	v11 =	vmov s11  }
0x115: {  	v10 =	vshll.u32 v11, $0x7;
	v12 =	vadd.s32 s0, v8  }
0x116: {  	v10 =	vor.u32 v2, v10;
	v13 =	vadd.s32 s0, v9;
	v14 =	vand.u32 $0xFFFFFF80, v12  }
0x117: {  	v12 =	vand.u32 $0x7F, v12;
	v15 =	vand.u32 $0xFFFFFF80, v13;
	v14 =	vadd.s32 v10, v14  }
0x118: {  	v13 =	vand.u32 $0x7F, v13;
	v15 =	vadd.s32 v10, v15;
	v12 =	vor.u32 v12, v14  }
0x119: {  	v14 =	vor.u32 v13, v15;
	_ =	sdelay $0x3  }
0x11a: {  	v11 =	vshll.u32 v11, $0x5;
	v13 =	vld.idx.msk [tilespmem:v12+s19+$0x0], $0xffff  }
0x11b: {  	s11 =	simm.s32 $0x1;
	v11 =	vadd.s32 v5, v11;
	v14 =	vld.idx.msk [tilespmem:v14+s21+$0x0], $0xffff  }
0x11c: {  	v11 =	vand.u32 $0x3F80, v11;
	v16 =	vadd.s32 s11, v8  }
0x11d: {  	v11 =	vor.u32 v1, v11;
	v17 =	vand.u32 $0xFFFFFF80, v16;
	v15 =	vadd.s32 s11, v9  }
0x11e: {  	s31 =	simm.s32 $0x2;
	v16 =	vand.u32 $0x7F, v16;
	v18 =	vand.u32 $0xFFFFFF80, v15;
	v12 =	vor.u32 s0, v11  }
.LBB2_17:
0x11f: {  	p0 =	sne.s32 s31, $0x1F;
	v17 =	vadd.s32 v10, v17;
	v15 =	vand.u32 $0x7F, v15;
	v18 =	vadd.s32 v10, v18  }
0x120: {  	v13 =	vmul.f32 v13, v6;
	v14 =	vmul.f32 v14, v7;
	v16 =	vor.u32 v16, v17  }
0x121: {  	v15 =	vor.u32 v15, v18  }
0x122: {  	v13 =	vadd.f32 v14, v13;
	_ =	sdelay $0x1  }
0x123: {  	[tilespmem:v12+s23+$0x0] =	vst.idx.msk $0xffff, v13  }
0x124: {  	v13 =	vld.idx.msk [tilespmem:v16+s19+$0x0], $0xffff  }
.Ltmp7:
0x125: {  	v14 =	vld.idx.msk [tilespmem:v15+s21+$0x0], $0xffff;
	(pc) =	sbr.rel @p0 .LBB2_17-.Ltmp7, $3  }
0x126: {  	_ =	sdelay $0x1  }
0x127: {  	v12 =	vor.u32 s11, v11;
	s11 =	smov.u32 s31;
	v16 =	vadd.s32 s31, v8;
	v15 =	vadd.s32 s31, v9  }
0x128: {  	v17 =	vand.u32 $0xFFFFFF80, v16;
	v16 =	vand.u32 $0x7F, v16;
	s31 =	sadd.s32 $0x1, s31;
	v18 =	vand.u32 $0xFFFFFF80, v15  }
0x129: {  	v8 =	vadd.s32 v10, v17;
	v9 =	vand.u32 $0x7F, v15;
	v61 =	vadd.s32 v10, v18  }
0x12a: {  	v13 =	vmul.f32 v13, v6;
	v14 =	vmul.f32 v14, v7;
	v8 =	vor.u32 v16, v8  }
0x12b: {  	v9 =	vor.u32 v9, v61  }
0x12c: {  	v62 =	vadd.f32 v14, v13;
	_ =	sdelay $0x1  }
0x12d: {  	[tilespmem:v12+s23+$0x0] =	vst.idx.msk $0xffff, v62  }
0x12e: {  	v8 =	vld.idx.msk [tilespmem:v8+s19+$0x0], $0xffff  }
0x12f: {  	v9 =	vld.idx.msk [tilespmem:v9+s21+$0x0], $0xffff;
	_ =	sdelay $0x2  }
0x130: {  	s1 =	sadd.s32 $0x1, s1  }
0x131: {  	v63 =	vor.u32 s11, v11;
	p0 =	sne.s32 s1, $0x8  }
.Ltmp8:
0x132: {  	v8 =	vmul.f32 v8, v6;
	v9 =	vmul.f32 v9, v7;
	(pc) =	sbr.rel @p0 .LBB2_16-.Ltmp8, $3  }
0x133: {  	_ = 	snop  }
0x134: {  	v8 =	vadd.f32 v9, v8;
	_ =	sdelay $0x1  }
0x135: {  	[tilespmem:v63+s23+$0x0] =	vst.idx.msk $0xffff, v8  }
0x136: {  	_ =	strace $0x90000050;
	s30 =	sadd.s32 $0x1, s30  }
0x137: {  	_ =	strace $0x80000051;
	p0 =	sne.s32 s30, s9  }
0x138: {  	[hbm4b:s8+s2] =	stream.linear.scatter [tilespmem:s23], [sflag:$0x3], $0x4000, $0x200038;
	[tilespmem:$0x14B00] =	vst v63  }
.Ltmp9:
0x139: {  	_ = 	snop;
	(pc) =	sbr.rel @p0 .LBB2_1-.Ltmp9, $4  }
0x13a: {  	_ =	swait.ge [sflag:s10], $0x4000  }
0x13b: {  	[sflag:s10] =	ssyncset.done $0x0  }
0x13c: {  	[sflag:s10] =	ssyncadd.s32 $0xFFFFC000  }
0x13d: {  	_ =	strace $0x90000051  }
0x13e: {  	_ =	sfence.sel $0x180000  }
0x13f: {  	[bflag:$0x0] =	sbarrier.arrive $0xFFFF  }
0x140: {  	_ =	strace $0x9000004D  }
0x141: {  	s0 =	stileid.u32;
	[bflag:$0x2] =	sbarrier.arrive $0xFFFF  }
0x142: {  	p0 =	sne.s32 s0, $0x0;
	s0 =	rddreg [dreg:$0x2]  }
0x143: {  	s0 =	sadd.s32 @!p0 $0x100000, s0  }
0x144: {  	[sflag:s0] =	ssyncadd.tile.s32 @!p0 $0x1;
	_ =	shalt  }
.Lfunc_end2:
_tile_overlayer_lowered:
.L_overlay_start_2:
0x145: {  	(tag) =	ssettag $0x2  }
0x146: {  	s0 =	rddreg [dreg:$0x0];
	s2 =	stileid.u32  }
0x147: {  	s1 =	rddreg [dreg:$0x1];
	p0 =	sne.s32 s2, $0x0  }
0x148: {  	s3 =	rddreg [dreg:$0x2];
	[bflag:$0x3] =	sbarrier.arrive $0xFFFF;
	s2 =	simm.s32 @!p0 $0x1C03  }
0x149: {  	[timem:s3], [sflag:s2] =	dma.local @!p0 [hbm:s0], s1  }
0x14a: {  	s0 =	simm.s32 @!p0 $0x3  }
0x14b: {  	_ =	swait.ge @!p0 [sflag:s0], s1  }
0x14c: {  	s1 =	ssub.s32 @!p0 $0x0, s1;
	[sflag:s0] =	ssyncset.done @!p0 $0x0  }
0x14d: {  	[sflag:s0] =	ssyncadd.s32 @!p0 s1  }
0x14e: {  	[bflag:$0x3] =	sbarrier.arrive $0xFFFF  }
0x14f: {  	_ =	shalt  }

// kernel: sparse-core-data-format-call.1.cloned.1.call-start
scs
called_computation.1_lowered:
.L_overlay_start_0:
0x0: {  	s2 =	sld [smem:$0x3FD9]  }
0x1: {  	s3 =	sld [smem:$0x3FFE];
	_ =	sdelay $0x1  }
0x2: {  	s1 =	srdreg.scid  }
0x3: {  	s0 =	sand.u32 $0x1, s1  }
0x4: {  	s18 =	sshll.u32 s0, $0xA;
	s2 =	sadd.s32 s3, s2  }
0x5: {  	s2 =	sadd.s32 s2, s18  }
0x6: {  	[smem:$0x3FC3] =	sst s2  }
0x7: {  	_ = 	snop  }
0x8: {  	s2 =	sld [smem:$0x3FC8];
	(tm) =	ssettm $0x1  }
0x9: {  	s19 =	sld [smem:$0x3FFB];
	_ =	sdelay $0x3  }
0xa: {  	_ =	strace s19  }
0xb: {  	s3 =	sld [smem:$0x3FFC];
	_ =	sdelay $0x3  }
0xc: {  	_ =	strace s3  }
0xd: {  	s3 =	sld [smem:$0x3FFD];
	_ =	sdelay $0x3  }
0xe: {  	_ =	strace s3  }
0xf: {  	_ =	strace $0x8FFFFFFF  }
0x10: {  	s20 =	sld [smem:$0x3FDB];
	_ =	sdelay $0x1  }
0x11: {  	s4 =	simm.s32 $_scs_section_size  }
0x12: {  	s5 =	simm.s32 $_size__tile_overlayer_lowered;
	s6 =	simm.s32 $_tile_overlayer_lowered  }
0x13: {  	s23 =	simm.s32 $0x1BFF;
	s22 =	sshll.u32 s6, $0x1;
	s3 =	sadd.s32 s4, s20  }
0x14: {  	s7 =	simm.s32 $0x0;
	s21 =	sshll.u32 s5, $0x1;
	s5 =	sadd.s32 s22, s3  }
0x15: {  	[timem:s7], [sflag:s23] =	dma.local [hbm:s5], s21  }
0x16: {  	_ =	swait.ge [sflag:s23], s21  }
0x17: {  	s4 =	ssub.s32 $0x0, s21;
	[sflag:s23] =	ssyncset.done $0x0  }
0x18: {  	[sflag:s23] =	ssyncadd.s32 s4;
	_ =	sdelay $0x1  }
0x19: {  	s24 =	simm.s32 $0x1B8B  }
0x1a: {  	_ =	swait.ge [sflag:s24], $0x1  }
0x1b: {  	[sflag:s24] =	ssyncset.done $0x0  }
0x1c: {  	s26 =	simm.s32 $0x1B8E;
	s25 =	sld [smem:$0x3FFE];
	[sflag:s24] =	ssyncadd.s32 $0xFFFFFFFF  }
0x1d: {  	s27 =	simm.s32 $execute0_lowered;
	[smem:$0x3FD2] =	sst s26  }
0x1e: {  	s5 =	sshll.u32 s27, $0x1;
	_ =	strace $0x80000046;
	[dreg:$0x1] =	wrdreg $0xFFFFFFFF  }
0x1f: {  	s28 =	simm.s32 $_size_execute0_lowered;
	s3 =	sadd.s32 s3, s5;
	[dreg:$0x0] =	wrdreg $0x0  }
0x20: {  	s5 =	sshll.u32 s28, $0x1;
	[dreg:$0x2] =	wrdreg s3  }
0x21: {  	[dreg:$0x3] =	wrdreg s5  }
0x22: {  	[dreg:$0x4] =	wrdreg $0xC0  }
0x23: {  	_ =	task [dreg:s7], $0x5FFFF  }
0x24: {  	[dreg:$0x1] =	wrdreg $0xFFFFFFFF  }
0x25: {  	[dreg:$0x0] =	wrdreg $0x60  }
0x26: {  	[dreg:$0x2] =	wrdreg s2  }
0x27: {  	[dreg:$0x3] =	wrdreg s25  }
0x28: {  	[dreg:$0x4] =	wrdreg $0x9  }
0x29: {  	_ =	task.clear_ibuf [dreg:s7], $0x5FFFF;
	_ =	strace $0x90000046  }
0x2a: {  	s29 =	simm.s32 $0x9;
	_ =	strace $0x80000048  }
0x2b: {  	_ =	swait.ge [sflag:s29], $0x1  }
0x2c: {  	[sflag:s29] =	ssyncadd.s32 $0xFFFFFFFF  }
0x2d: {  	_ =	strace $0x90000048  }
0x2e: {  	_ =	sfence  }
0x2f: {  	s30 =	sld [smem:$0x0];
	_ =	sdelay $0x2  }
0x30: {  	s31 =	sshll.u32 s1, $0xD;
	s1 =	sshrl.u32 s1, $0x2  }
0x31: {  	s3 =	sand.u32 $0x4000, s31;
	s1 =	sadd.s32 s1, s30  }
0x32: {  	s0 =	sor.u32 s3, s0;
	s1 =	sshll.u32 s1, $0x11  }
0x33: {  	s0 =	sor.u32 s1, s0  }
0x34: {  	s0 =	sadd.s32 $0x8F2B, s0  }
0x35: {  	[sflag:s0] =	ssyncadd.remote.s32 $0x1  }
0x36: {  	_ =	sfence.sel $0xFFFF  }
0x37: {  	[dreg:$0x0] =	wrdreg $0xFFFFFFFF;
	(pc) =	sbr.abs _section_cstart, $3  }
0x38: {  	[dreg:$0x1] =	wrdreg $0xFFFFFFFF  }
0x39: {  	_ =	task.clear_ibuf [dreg:s7], $0x2FFFF;
	_ =	strace $0x9FFFFFFF  }
0x3a: {  	(tm) =	ssettm $0x7FFFFFFF  }
0x3b: {  	_ =	shalt  }
tec
execute0_lowered:
.L_overlay_start_1:
0x0: {  	(tag) =	ssettag $0x1  }
0x1: {  	s0 =	stileid.u32;
	s1 =	srdreg.scid  }
0x2: {  	s7 =	rddreg [dreg:$0x1];
	s31 =	simm.s32 $0x2;
	s17 =	simm.s32 $0x0  }
0x3: {  	p0 =	por $0x0, $0x0;
	s9 =	simm.s32 $0x80;
	s18 =	simm.s32 $0x0  }
0x4: {  	s19 =	simm.s32 $0x0;
	s10 =	simm.s32 $0x0;
	s11 =	simm.s32 $0x0  }
0x5: {  	s12 =	simm.s32 $0x0;
	s2 =	sshll.u32 s0, $0x6;
	s1 =	sshll.u32 s1, $0xA  }
0x6: {  	s14 =	simm.s32 $0x0;
	s3 =	sand.u32 $0x1, s0;
	s1 =	sor.u32 s2, s1  }
0x7: {  	s16 =	simm.s32 $0x0;
	s29 =	ssub.s32 $0x2, s3;
	s4 =	sand.u32 $0x780, s1  }
0x8: {  	s2 =	rddreg [dreg:$0x0];
	s6 =	sshrl.u32 s29, $0x1;
	s5 =	ssub.s32 $0xF4200, s4  }
.Ltmp0:
0x9: {  	s8 =	sand.u32 $0x1, s29;
	s5 =	sshrl.u32 s5, $0xB;
	(pc) =	sbr.rel .LBB1_1-.Ltmp0, $4  }
0xa: {  	s1 =	rddreg [dreg:$0x2];
	s6 =	sadd.s32 s8, s6;
	s30 =	sadd.s32 $0x1, s5  }
0xb: {  	_ =	strace $0x80000047;
	s5 =	simm.s32 $0x1;
	s6 =	smul.u32 s6, s30  }
0xc: {  	s7 =	sadd.s32 $0x1400, s7;
	s15 =	smov.u32 s3;
	[sflag:s5] =	ssyncpa.u1 $0x0  }
0xd: {  	s13 =	smov.u32 s4;
	[sflag:s31] =	ssyncpa.u1 $0x0;
	s8 =	sadd.s32 $0x1, s6  }
.LBB1_4:
0xe: {  	s25 =	sshll.u32 s10, $0x7;
	s26 =	sshll.u32 s11, $0x3;
	s24 =	sshra.s32 s24, $0x2  }
0xf: {  	p1 =	sgt.s32 s12, $0x1;
	s27 =	sand.u32 $0xFFFFFC00, s25;
	s26 =	sand.u32 $0xFFFFFC00, s26  }
0x10: {  	s30 =	sshra.s32 s12, $0x1F;
	s25 =	sand.u32 $0x380, s25;
	s26 =	sadd.s32 s26, s27  }
0x11: {  	s23 =	sadd.s32 s24, s23;
	s24 =	smov.u32 s12;
	s25 =	sor.u32 s25, s26  }
0x12: {  	s28 =	smov.u32 s11;
	s24 =	simm.s32 @!p1 $0x1;
	s25 =	sshrl.u32 s25, $0x7  }
0x13: {  	[tilespmem:s22+$0x840 ss:$0x21] =	vst.msk $0xffff, v4;
	s27 =	sand.u32 s30, s12;
	p1 =	sgt.s32 s11, $0x60;
	s29 =	smulhi.u32 $0x218DEF5, s25  }
0x14: {  	[tilespmem:s22+$0xA50 ss:$0x21] =	vst.msk $0xffff, v3;
	s30 =	sshra.s32 s10, $0x1F;
	s27 =	sxor.u32 $0xFFFFFFFF, s27;
	s28 =	simm.s32 @!p1 $0x60  }
0x15: {  	v5 =	vld [tilespmem:s21+$0xFFFFFFD0];
	[tilespmem:s22+$0xC60 ss:$0x21] =	vst.msk $0xffff, v2;
	s24 =	sadd.s32 s27, s24;
	s26 =	sshrl.u32 s29, $0xD;
	s29 =	sshra.s32 s11, $0x1F  }
0x16: {  	v58 =	vld [tilespmem:s21+$0xFFFFFFE0];
	[tilespmem:s22+$0x0 ss:$0x21] =	vst.msk $0xffff, v1;
	p1 =	sgt.s32 s10, $0xF41C0;
	s22 =	ssub.s32 $0x1, s24;
	s31 =	sand.u32 s29, s11  }
0x17: {  	v59 =	vld [tilespmem:s21+$0xFFFFFFF0];
	s29 =	smov.u32 s10;
	s26 =	smul.u32 $0xF4240, s26;
	s27 =	ssub.s32 s28, s31  }
0x18: {  	v60 =	vld [tilespmem:s21+$0x0];
	s29 =	simm.s32 @!p1 $0xF41C0;
	p1 =	sgt.s32 s24, $0x0;
	s28 =	sand.u32 s30, s10  }
0x19: {  	v61 =	vld [tilespmem:s21+$0x10];
	[tilespmem:s23+$0xE70 ss:$0x21] =	vst.msk $0xffff, v0;
	s31 =	ssub.s32 s29, s28;
	s29 =	sadd.s32 $0xFFFFFFA0, s27;
	s22 =	simm.s32 @p1 $0x0  }
0x1a: {  	v62 =	vld [tilespmem:s21+$0x20];
	[tilespmem:s23+$0x210 ss:$0x21] =	vst.msk $0xffff, v5;
	s27 =	ssub.s32 $0x80, s27;
	p1 =	sgt.s32 s29, $0x1F;
	s30 =	sadd.s32 $0xFFF0BE40, s31  }
0x1b: {  	v63 =	vld [tilespmem:s21+$0xFFFFFFC0];
	[tilespmem:s23+$0x420 ss:$0x21] =	vst.msk $0xffff, v58;
	s21 =	ssub.s32 $0xF4240, s31;
	s31 =	smul.u32 $0xF42400, s12;
	s27 =	simm.s32 @p1 $0x0  }
0x1c: {  	[tilespmem:s23+$0x630 ss:$0x21] =	vst.msk $0xffff, v59;
	s25 =	ssub.s32 s25, s26;
	p1 =	sgt.s32 s30, $0x7F;
	s22 =	smul.u32 s22, s27  }
0x1d: {  	[tilespmem:s23+$0x840 ss:$0x21] =	vst.msk $0xffff, v60;
	s28 =	sand.u32 $0x7, s11;
	s21 =	simm.s32 @p1 $0x0;
	s27 =	sshrl.u32 s11, $0x3  }
0x1e: {  	[tilespmem:s23+$0xA50 ss:$0x21] =	vst.msk $0xffff, v61;
	s24 =	sadd.s32 s7, s31;
	s21 =	smul.u32 s21, s22;
	s22 =	sand.u32 $0xF, s27  }
0x1f: {  	[tilespmem:s23+$0xC60 ss:$0x21] =	vst.msk $0xffff, v62;
	s29 =	sshll.u32 s25, $0x4;
	s30 =	sshll.u32 s28, $0x12;
	s22 =	sadd.s32 s22, s24  }
0x20: {  	[tilespmem:s23+$0x0 ss:$0x21] =	vst.msk $0xffff, v63;
	s31 =	sor.u32 $0x20, s30;
	s21 =	sand.u32 $0x3FFFFFFF, s21;
	s22 =	sadd.s32 s29, s22  }
0x21: {  	[hbm4b:s22+s31] =	stream.strided.scatter [tilespmem:s20], [sflag:$0x2], s21, s9, s31, $0x10;
	[tilespmem:$0x4100] =	vst v63  }
.LBB1_5:
0x22: {  	p1 =	slt.u32 s16, $0x2  }
0x23: {  	s21 =	smov.u32 s19;
	p2 =	sgt.s32 @!p1 s19, $0x1  }
0x24: {  	s20 =	sshra.s32 @!p1 s19, $0x1F;
	p3 =	sgt.s32 @!p1 s18, $0x60;
	p2 =	por !p2, p1  }
0x25: {  	s19 =	sand.u32 @!p1 s20, s19;
	p3 =	por !p3, p1;
	s20 =	smov.u32 s18  }
0x26: {  	s21 =	simm.s32 @p2 $0x1;
	s19 =	sxor.u32 @!p1 $0xFFFFFFFF, s19;
	s20 =	simm.s32 @p3 $0x60  }
0x27: {  	p3 =	sgt.s32 @!p1 s17, $0xF41C0;
	s19 =	sadd.s32 @!p1 s19, s21;
	s21 =	sshra.s32 @!p1 s18, $0x1F  }
0x28: {  	p3 =	por !p3, p1;
	p2 =	sgt.s32 @!p1 s19, $0x0;
	s19 =	ssub.s32 @!p1 $0x1, s19  }
0x29: {  	s18 =	sand.u32 @!p1 s21, s18;
	s21 =	smov.u32 s17;
	p2 =	por !p2, p1  }
0x2a: {  	s18 =	ssub.s32 @!p1 s20, s18;
	s20 =	sshra.s32 @!p1 s17, $0x1F;
	s21 =	simm.s32 @p3 $0xF41C0  }
0x2b: {  	s17 =	sand.u32 @!p1 s20, s17;
	s20 =	sadd.s32 @!p1 $0xFFFFFFA0, s18;
	s19 =	simm.s32 @!p2 $0x0  }
0x2c: {  	s18 =	ssub.s32 @!p1 $0x80, s18;
	s17 =	ssub.s32 @!p1 s21, s17;
	p2 =	sgt.s32 @!p1 s20, $0x1F  }
0x2d: {  	s21 =	smov.u32 s14;
	s20 =	sadd.s32 @!p1 $0xFFF0BE40, s17;
	p2 =	por !p2, p1  }
0x2e: {  	s17 =	ssub.s32 @!p1 $0xF4240, s17;
	p3 =	sgt.s32 @!p1 s20, $0x7F;
	s18 =	simm.s32 @!p2 $0x0  }
0x2f: {  	s20 =	sadd.s32 $0x800, s13;
	p2 =	por !p3, p1;
	s18 =	smul.u32 @!p1 s19, s18  }
0x30: {  	s19 =	sadd.s32 $0x20, s14;
	s17 =	simm.s32 @!p2 $0x0;
	p2 =	sgt.s32 s20, $0xF423F  }
0x31: {  	s22 =	smov.u32 s15;
	s21 =	smov.u32 @p2 s19  }
0x32: {  	s17 =	smul.u32 @!p1 s17, s18;
	s18 =	sadd.s32 $0x2, s15;
	p3 =	sgt.s32 s21, $0x1F  }
0x33: {  	p0 =	por !p0, !p0;
	s23 =	simm.s32 @!p1 $0x2;
	s22 =	smov.u32 @p3 s18  }
0x34: {  	s20 =	smov.u32 @p2 s4;
	s19 =	smov.u32 s12;
	p2 =	sgt.s32 s22, $0x1  }
0x35: {  	s12 =	smov.u32 s15;
	s22 =	smov.u32 @p2 s3;
	p2 =	sne.s32 s16, s8  }
.Ltmp1:
0x36: {  	s17 =	sand.u32 @!p1 $0x3FFFFFFF, s17;
	s21 =	simm.s32 @p3 $0x0;
	(pc) =	sbr.rel @!p2 .LBB1_6-.Ltmp1, $4  }
0x37: {  	s18 =	smov.u32 s11;
	s11 =	smov.u32 s14;
	_ =	swait.ge @!p1 [sflag:s23], s17  }
0x38: {  	s24 =	ssub.s32 @!p1 $0x0, s17;
	s17 =	smov.u32 s10;
	s10 =	smov.u32 s13  }
0x39: {  	s13 =	smov.u32 s20;
	s14 =	smov.u32 s21;
	[sflag:s23] =	ssyncset.done @!p1 $0x0  }
0x3a: {  	s16 =	sadd.s32 $0x1, s16;
	[sflag:s23] =	ssyncadd.s32 @!p1 s24;
	s15 =	smov.u32 s22  }
.LBB1_1:
0x3b: {  	p1 =	sge.u32 s16, s6  }
0x3c: {  	s20 =	sshrl.u32 @!p1 s14, $0x3  }
0x3d: {  	s21 =	sshll.u32 @!p1 s13, $0x3;
	s20 =	smul.u32 @!p1 $0x7A1400, s20  }
0x3e: {  	s22 =	sshll.u32 @!p1 s14, $0x7;
	s21 =	sand.u32 @!p1 $0xFFFFFC00, s21  }
0x3f: {  	s20 =	sadd.s32 @!p1 s20, s21;
	s21 =	sand.u32 @!p1 $0x380, s22  }
0x40: {  	s22 =	sand.u32 @!p1 $0x7F, s13;
	s20 =	sor.u32 @!p1 s21, s20  }
0x41: {  	s21 =	sor.u32 @!p1 s22, s20  }
0x42: {  	s22 =	smulhi.u32 @!p1 $0x218D6287, s21  }
0x43: {  	s20 =	smulhi.u32 @!p1 $0x218D6287, s20  }
0x44: {  	s22 =	sshrl.u32 @!p1 s22, $0x11  }
0x45: {  	s31 =	sadd.s32 $0xFFFFFFFF, s16;
	s20 =	sshrl.u32 @!p1 s20, $0x11;
	s22 =	smul.u32 @!p1 $0xF4280, s22  }
0x46: {  	s23 =	sxor.u32 @!p1 $0xFFFFFFFF, s16;
	s24 =	smul.u32 @!p1 $0x3D0A00, s15;
	s20 =	sand.u32 @!p1 $0x1F, s20  }
0x47: {  	s23 =	sshll.u32 @!p1 s23, $0xC;
	s20 =	smul.u32 @!p1 $0x1E850, s20;
	s21 =	ssub.s32 @!p1 s21, s22  }
0x48: {  	s22 =	sand.u32 @!p1 $0x1000, s23;
	s23 =	sadd.s32 @!p1 s2, s24;
	s24 =	sand.u32 @!p1 $0x7, s21  }
0x49: {  	s21 =	sshrl.u32 @!p1 s21, $0x3;
	s20 =	sadd.s32 @!p1 s20, s23;
	s23 =	sshll.u32 @!p1 s24, $0x12  }
0x4a: {  	s20 =	sadd.s32 @!p1 s21, s20;
	s21 =	sor.u32 @!p1 $0x400, s23;
	s23 =	simm.s32 @!p1 $0x7A1400  }
0x4b: {  	[tilespmem:s22], [sflag:$0x1] =	stream.strided.gather @!p1 [hbm4b:s20+s21], $0x1000, s23, s21, $0x38;
	[tilespmem:$0x4100] =	vst v63  }
0x4c: {  	p1 =	sge.u32 s31, s6  }
.Ltmp2:
0x4d: {  	_ = 	snop;
	(pc) =	sbr.rel @p1 .LBB1_5-.Ltmp2, $1  }
0x4e: {  	_ =	sdelay $0x3  }
0x4f: {  	s20 =	simm.s32 $0x1  }
0x50: {  	_ =	swait.ge [sflag:s5], $0x1000;
	s20 =	simm.s32 @!p0 $0x0  }
0x51: {  	[sflag:s5] =	ssyncset.done $0x0;
	s21 =	sshll.u32 s20, $0xC  }
0x52: {  	[sflag:s5] =	ssyncadd.s32 $0xFFFFF000;
	s21 =	sor.u32 $0x40, s21  }
0x53: {  	s20 =	smul.u32 $0x4200, s20;
	v0 =	vld [tilespmem:s21+$0x30]  }
0x54: {  	v1 =	vld [tilespmem:s21+$0xFFFFFFD0]  }
0x55: {  	s20 =	sshrl.u32 s20, $0x2;
	v5 =	vld [tilespmem:s21+$0xFFFFFFE0]  }
0x56: {  	v6 =	vld [tilespmem:s21+$0xFFFFFFF0];
	s23 =	sor.u32 $0x2000, s20  }
0x57: {  	s31 =	sand.u32 $0x1, s16;
	v4 =	vld [tilespmem:s21+$0x0];
	s22 =	sadd.s32 $0x0, s23  }
0x58: {  	v3 =	vld [tilespmem:s21+$0x10];
	s20 =	smul.u32 $0x4200, s31;
	[tilespmem:s22+$0xE70 ss:$0x21] =	vst.msk $0xffff, v0  }
0x59: {  	v2 =	vld [tilespmem:s21+$0x20];
	[tilespmem:s22+$0x210 ss:$0x21] =	vst.msk $0xffff, v1  }
0x5a: {  	s20 =	sshrl.u32 s20, $0x2;
	v1 =	vld [tilespmem:s21+$0xFFFFFFC0];
	[tilespmem:s22+$0x420 ss:$0x21] =	vst.msk $0xffff, v5;
	s21 =	sadd.s32 $0x80, s21  }
0x5b: {  	s24 =	simm.s32 $0x4;
	s25 =	simm.s32 $0x8;
	s20 =	sor.u32 $0x2000, s20;
	[tilespmem:s22+$0x630 ss:$0x21] =	vst.msk $0xffff, v6;
	v0 =	vld [tilespmem:s21+$0x30]  }
.LBB1_3:
0x5c: {  	p1 =	sne.s32 s25, $0x7C;
	v5 =	vld [tilespmem:s21+$0xFFFFFFD0];
	[tilespmem:s22+$0x840 ss:$0x21] =	vst.msk $0xffff, v4  }
0x5d: {  	v6 =	vld [tilespmem:s21+$0xFFFFFFE0];
	[tilespmem:s22+$0xA50 ss:$0x21] =	vst.msk $0xffff, v3  }
0x5e: {  	s26 =	sshra.s32 s24, $0x2;
	s24 =	smov.u32 s25;
	v7 =	vld [tilespmem:s21+$0xFFFFFFF0];
	[tilespmem:s22+$0xC60 ss:$0x21] =	vst.msk $0xffff, v2  }
.Ltmp3:
0x5f: {  	v4 =	vld [tilespmem:s21+$0x0];
	[tilespmem:s22+$0x0 ss:$0x21] =	vst.msk $0xffff, v1;
	s22 =	sadd.s32 s26, s23;
	(pc) =	sbr.rel @p1 .LBB1_3-.Ltmp3, $4  }
0x60: {  	v3 =	vld [tilespmem:s21+$0x10];
	[tilespmem:s22+$0xE70 ss:$0x21] =	vst.msk $0xffff, v0  }
0x61: {  	[tilespmem:s22+$0x210 ss:$0x21] =	vst.msk $0xffff, v5;
	v2 =	vld [tilespmem:s21+$0x20]  }
0x62: {  	v1 =	vld [tilespmem:s21+$0xFFFFFFC0];
	[tilespmem:s22+$0x420 ss:$0x21] =	vst.msk $0xffff, v6;
	s21 =	sadd.s32 $0x80, s21  }
0x63: {  	s25 =	sadd.s32 $0x4, s25;
	v0 =	vld [tilespmem:s21+$0x30];
	[tilespmem:s22+$0x630 ss:$0x21] =	vst.msk $0xffff, v7  }
.Ltmp4:
0x64: {  	_ = 	snop;
	(pc) =	sbr.rel .LBB1_4-.Ltmp4, $1  }
0x65: {  	_ =	sdelay $0x3  }
.LBB1_6:
0x66: {  	_ =	sfence.sel $0x180000  }
0x67: {  	s2 =	simm.s32 $0x1;
	[bflag:$0x0] =	sbarrier.arrive $0xFFFF  }
0x68: {  	s31 =	simm.s32 $0x2;
	[sflag:s2] =	ssyncpa.u1 $0x1  }
0x69: {  	[sflag:s31] =	ssyncpa.u1 $0x1  }
0x6a: {  	p0 =	sne.s32 s0, $0x0;
	_ =	strace $0x90000047  }
0x6b: {  	s0 =	sadd.s32 @!p0 $0x100000, s1;
	[bflag:$0x2] =	sbarrier.arrive $0xFFFF  }
0x6c: {  	[sflag:s0] =	ssyncadd.tile.s32 @!p0 $0x1;
	_ =	shalt  }
.Lfunc_end1:
_tile_overlayer_lowered:
.L_overlay_start_2:
0x6d: {  	(tag) =	ssettag $0x2  }
0x6e: {  	s0 =	rddreg [dreg:$0x0];
	s2 =	stileid.u32  }
0x6f: {  	s1 =	rddreg [dreg:$0x1];
	p0 =	sne.s32 s2, $0x0  }
0x70: {  	s3 =	rddreg [dreg:$0x2];
	[bflag:$0x3] =	sbarrier.arrive $0xFFFF;
	s2 =	simm.s32 @!p0 $0x1C01  }
0x71: {  	[timem:s3], [sflag:s2] =	dma.local @!p0 [hbm:s0], s1  }
0x72: {  	s0 =	simm.s32 @!p0 $0x1  }
0x73: {  	_ =	swait.ge @!p0 [sflag:s0], s1  }
0x74: {  	s1 =	ssub.s32 @!p0 $0x0, s1;
	[sflag:s0] =	ssyncset.done @!p0 $0x0  }
0x75: {  	[sflag:s0] =	ssyncadd.s32 @!p0 s1  }
0x76: {  	[bflag:$0x3] =	sbarrier.arrive $0xFFFF  }
0x77: {  	_ =	shalt  }

// kernel: sparse-core-data-format-call.cloned.1.call-start
scs
called_computation_lowered:
.L_overlay_start_0:
0x0: {  	s1 =	sld [smem:$0x3FD9]  }
0x1: {  	s2 =	sld [smem:$0x3FFE];
	_ =	sdelay $0x1  }
0x2: {  	s3 =	srdreg.scid  }
0x3: {  	s0 =	sand.u32 $0x1, s3  }
0x4: {  	s17 =	sshll.u32 s0, $0xA;
	s1 =	sadd.s32 s2, s1  }
0x5: {  	s1 =	sadd.s32 s1, s17  }
0x6: {  	[smem:$0x3FC3] =	sst s1  }
0x7: {  	_ = 	snop  }
0x8: {  	(tm) =	ssettm $0x1  }
0x9: {  	s18 =	sld [smem:$0x3FFB];
	_ =	sdelay $0x3  }
0xa: {  	_ =	strace s18  }
0xb: {  	s1 =	sld [smem:$0x3FFC];
	_ =	sdelay $0x3  }
0xc: {  	_ =	strace s1  }
0xd: {  	s1 =	sld [smem:$0x3FFD];
	_ =	sdelay $0x3  }
0xe: {  	_ =	strace s1  }
0xf: {  	_ =	strace $0x8FFFFFFF  }
0x10: {  	s19 =	sld [smem:$0x3FDB];
	_ =	sdelay $0x1  }
0x11: {  	s20 =	simm.s32 $_scs_section_size  }
0x12: {  	s4 =	simm.s32 $_size__tile_overlayer_lowered;
	s5 =	simm.s32 $_tile_overlayer_lowered  }
0x13: {  	s23 =	simm.s32 $0x1BFF;
	s22 =	sshll.u32 s5, $0x1;
	s1 =	sadd.s32 s20, s19  }
0x14: {  	s6 =	simm.s32 $0x0;
	s21 =	sshll.u32 s4, $0x1;
	s4 =	sadd.s32 s22, s1  }
0x15: {  	[timem:s6], [sflag:s23] =	dma.local [hbm:s4], s21  }
0x16: {  	_ =	swait.ge [sflag:s23], s21  }
0x17: {  	s2 =	ssub.s32 $0x0, s21;
	[sflag:s23] =	ssyncset.done $0x0  }
0x18: {  	[sflag:s23] =	ssyncadd.s32 s2;
	_ =	sdelay $0x1  }
0x19: {  	s24 =	simm.s32 $0x1B8B  }
0x1a: {  	_ =	swait.ge [sflag:s24], $0x1  }
0x1b: {  	[sflag:s24] =	ssyncset.done $0x0  }
0x1c: {  	s26 =	simm.s32 $0x1B8E;
	s25 =	sld [smem:$0x3FFE];
	[sflag:s24] =	ssyncadd.s32 $0xFFFFFFFF  }
0x1d: {  	s27 =	simm.s32 $execute0_lowered;
	[smem:$0x3FD2] =	sst s26  }
0x1e: {  	s4 =	sshll.u32 s27, $0x1;
	_ =	strace $0x80000049;
	[dreg:$0x1] =	wrdreg $0xFFFFFFFF  }
0x1f: {  	s28 =	simm.s32 $_size_execute0_lowered;
	s1 =	sadd.s32 s1, s4;
	[dreg:$0x0] =	wrdreg $0x0  }
0x20: {  	s4 =	sshll.u32 s28, $0x1;
	[dreg:$0x2] =	wrdreg s1  }
0x21: {  	[dreg:$0x3] =	wrdreg s4  }
0x22: {  	[dreg:$0x4] =	wrdreg $0xC0  }
0x23: {  	_ =	task [dreg:s6], $0x5FFFF  }
0x24: {  	[dreg:$0x1] =	wrdreg $0xFFFFFFFF  }
0x25: {  	[dreg:$0x0] =	wrdreg $0x60  }
0x26: {  	[dreg:$0x2] =	wrdreg s25  }
0x27: {  	[dreg:$0x3] =	wrdreg $0x9  }
0x28: {  	_ =	task.clear_ibuf [dreg:s6], $0x4FFFF;
	_ =	strace $0x90000049  }
0x29: {  	s29 =	simm.s32 $0x9;
	_ =	strace $0x8000004B  }
0x2a: {  	_ =	swait.ge [sflag:s29], $0x1  }
0x2b: {  	[sflag:s29] =	ssyncadd.s32 $0xFFFFFFFF  }
0x2c: {  	_ =	strace $0x9000004B  }
0x2d: {  	_ =	sfence  }
0x2e: {  	s30 =	sld [smem:$0x0];
	_ =	sdelay $0x2  }
0x2f: {  	s31 =	sshll.u32 s3, $0xD;
	s3 =	sshrl.u32 s3, $0x2  }
0x30: {  	s2 =	sand.u32 $0x4000, s31;
	s1 =	sadd.s32 s3, s30  }
0x31: {  	s0 =	sor.u32 s2, s0;
	s1 =	sshll.u32 s1, $0x11  }
0x32: {  	s0 =	sor.u32 s1, s0  }
0x33: {  	s0 =	sadd.s32 $0x8F2B, s0  }
0x34: {  	[sflag:s0] =	ssyncadd.remote.s32 $0x1  }
0x35: {  	_ =	sfence.sel $0xFFFF  }
0x36: {  	[dreg:$0x0] =	wrdreg $0xFFFFFFFF;
	(pc) =	sbr.abs _section_cstart, $3  }
0x37: {  	[dreg:$0x1] =	wrdreg $0xFFFFFFFF  }
0x38: {  	_ =	task.clear_ibuf [dreg:s6], $0x2FFFF;
	_ =	strace $0x9FFFFFFF  }
0x39: {  	(tm) =	ssettm $0x7FFFFFFF  }
tec
execute0_lowered:
.L_overlay_start_1:
0x0: {  	(tag) =	ssettag $0x1  }
0x1: {  	s0 =	stileid.u32  }
0x2: {  	s1 =	srdreg.scid;
	s7 =	rddreg [dreg:$0x0]  }
0x3: {  	s31 =	simm.s32 $0x2;
	s13 =	simm.s32 $0x0;
	p0 =	por $0x0, $0x0  }
0x4: {  	s9 =	simm.s32 $0x1E8800;
	s2 =	sshll.u32 s0, $0x6;
	s1 =	sshll.u32 s1, $0xA  }
0x5: {  	s14 =	simm.s32 $0x0;
	s3 =	sor.u32 s2, s1;
	s2 =	sand.u32 $0x1, s0  }
0x6: {  	s1 =	rddreg [dreg:$0x1];
	s3 =	sand.u32 $0x780, s3;
	s4 =	ssub.s32 $0x2, s2  }
0x7: {  	_ =	strace $0x8000004A;
	s5 =	ssub.s32 $0x3D080, s3;
	s6 =	sshrl.u32 s4, $0x1  }
.Ltmp0:
0x8: {  	s8 =	sand.u32 $0x1, s4;
	s5 =	sshrl.u32 s5, $0xB;
	(pc) =	sbr.rel .LBB1_1-.Ltmp0, $4  }
0x9: {  	s4 =	simm.s32 $0x1;
	s6 =	sadd.s32 s8, s6;
	s5 =	sadd.s32 $0x1, s5  }
0xa: {  	s12 =	simm.s32 $0x0;
	[sflag:s4] =	ssyncpa.u1 $0x0;
	s5 =	smul.u32 s6, s5  }
0xb: {  	s11 =	smov.u32 s2;
	s10 =	smov.u32 s3;
	[sflag:s31] =	ssyncpa.u1 $0x0  }
0xc: {  	s6 =	sadd.s32 $0x1400, s7;
	s7 =	sadd.s32 $0x1E85C00, s7;
	s8 =	sadd.s32 $0x1, s5  }
.LBB1_7:
0xd: {  	s15 =	sadd.s32 $0x800, s10  }
0xe: {  	s13 =	sadd.s32 $0x2, s11;
	s17 =	smov.u32 s11;
	p2 =	sgt.s32 s15, $0x3D08F  }
0xf: {  	s17 =	smov.u32 @p2 s13  }
0x10: {  	s15 =	smov.u32 @p2 s3;
	p2 =	sgt.s32 s17, $0x1  }
0x11: {  	s17 =	smov.u32 @p2 s2;
	p2 =	sne.s32 s12, s8  }
.Ltmp1:
0x12: {  	p1 =	slt.u32 s12, $0x2;
	(pc) =	sbr.rel @!p2 .LBB1_8-.Ltmp1, $4  }
0x13: {  	s16 =	simm.s32 @!p1 $0x2  }
0x14: {  	s14 =	smov.u32 s11;
	p0 =	por !p0, !p0;
	_ =	swait.ge @!p1 [sflag:s16], $0x4000  }
0x15: {  	s13 =	smov.u32 s10;
	[sflag:s16] =	ssyncset.done @!p1 $0x0;
	s10 =	smov.u32 s15  }
0x16: {  	s12 =	sadd.s32 $0x1, s12;
	[sflag:s16] =	ssyncadd.s32 @!p1 $0xFFFFC000;
	s11 =	smov.u32 s17  }
.LBB1_1:
0x17: {  	p1 =	sge.u32 s12, s5  }
0x18: {  	p2 =	sgt.s32 @!p1 s11, $0x1  }
0x19: {  	s15 =	smov.u32 s11;
	s17 =	smov.u32 s10;
	p2 =	por !p2, p1  }
0x1a: {  	s16 =	sshra.s32 @!p1 s11, $0x1F;
	s15 =	simm.s32 @p2 $0x1;
	p2 =	sgt.s32 @!p1 s10, $0x3D010  }
0x1b: {  	s18 =	sshra.s32 @!p1 s10, $0x1F;
	s16 =	sand.u32 @!p1 s16, s11;
	p2 =	por !p2, p1  }
0x1c: {  	s18 =	sand.u32 @!p1 s18, s10;
	s16 =	sxor.u32 @!p1 $0xFFFFFFFF, s16;
	s17 =	simm.s32 @p2 $0x3D010  }
0x1d: {  	s15 =	sadd.s32 @!p1 s16, s15;
	s16 =	ssub.s32 @!p1 s17, s18  }
0x1e: {  	p2 =	sgt.s32 @!p1 s15, $0x0;
	s15 =	sshll.u32 @!p1 s15, $0x7;
	s17 =	sadd.s32 @!p1 $0xFFFC2FF0, s16  }
0x1f: {  	s15 =	ssub.s32 @!p1 $0x80, s15;
	p3 =	sgt.s32 @!p1 s17, $0x7F  }
0x20: {  	p2 =	por !p2, p1;
	s16 =	ssub.s32 @!p1 $0x3D090, s16;
	p3 =	por !p3, p1  }
0x21: {  	s15 =	simm.s32 @!p2 $0x0;
	s16 =	simm.s32 @!p3 $0x0  }
0x22: {  	s17 =	sxor.u32 @!p1 $0xFFFFFFFF, s12;
	s15 =	smul.u32 @!p1 s16, s15  }
0x23: {  	s16 =	sshll.u32 @!p1 s17, $0xE;
	s17 =	smul.u32 @!p1 $0xF42400, s11  }
0x24: {  	s31 =	sadd.s32 $0xFFFFFFFF, s12;
	s19 =	simm.s32 @!p1 $0x80  }
0x25: {  	s18 =	sshll.u32 @!p1 s10, $0x6;
	s16 =	sand.u32 @!p1 $0x4000, s16;
	s17 =	sadd.s32 @!p1 s6, s17  }
0x26: {  	s15 =	sand.u32 @!p1 $0x3FFFFF80, s15;
	s17 =	sadd.s32 @!p1 s18, s17;
	s18 =	simm.s32 @!p1 $0x20  }
0x27: {  	[tilespmem:s16], [sflag:$0x1] =	stream.strided.gather @!p1 [hbm4b:s17+s18], s15, s19, s18, $0x38;
	[tilespmem:$0x10100] =	vst v63  }
0x28: {  	p1 =	sge.u32 s31, s5  }
.Ltmp2:
0x29: {  	_ = 	snop;
	(pc) =	sbr.rel @p1 .LBB1_7-.Ltmp2, $1  }
0x2a: {  	_ =	sdelay $0x3  }
0x2b: {  	s15 =	simm.s32 $0x1;
	p1 =	sgt.s32 s14, $0x1;
	s16 =	smov.u32 s14  }
0x2c: {  	s17 =	sshra.s32 s14, $0x1F;
	s18 =	smov.u32 s13;
	s19 =	sshra.s32 s13, $0x1F  }
0x2d: {  	s16 =	simm.s32 @!p1 $0x1;
	s17 =	sand.u32 s17, s14;
	p1 =	sgt.s32 s13, $0x3D010  }
0x2e: {  	s19 =	sand.u32 s19, s13;
	s17 =	sxor.u32 $0xFFFFFFFF, s17;
	s18 =	simm.s32 @!p1 $0x3D010  }
0x2f: {  	s26 =	sand.u32 $0x1, s12;
	s16 =	sadd.s32 s17, s16;
	s25 =	ssub.s32 s18, s19  }
0x30: {  	p1 =	sgt.s32 s16, $0x0;
	s18 =	sadd.s32 $0xFFFC2FF0, s25;
	s16 =	sshll.u32 s16, $0x7  }
0x31: {  	s17 =	ssub.s32 $0x3D090, s25;
	p2 =	sgt.s32 s18, $0x7F;
	s16 =	ssub.s32 $0x80, s16  }
0x32: {  	s29 =	smul.u32 $0x10200, s26;
	s17 =	simm.s32 @p2 $0x0;
	s16 =	simm.s32 @p1 $0x0  }
0x33: {  	s15 =	simm.s32 @!p0 $0x0;
	s16 =	smul.u32 s17, s16  }
0x34: {  	s20 =	smul.u32 $0x10200, s15  }
0x35: {  	s31 =	sshrl.u32 s29, $0x2;
	s28 =	sand.u32 $0x3FFFFF80, s16  }
0x36: {  	s27 =	sshrl.u32 s20, $0x2;
	s18 =	simm.s32 $0x0;
	_ =	swait.ge [sflag:s4], s28  }
0x37: {  	s17 =	sshll.u32 s15, $0xE;
	s30 =	ssub.s32 $0x0, s28;
	[sflag:s4] =	ssyncset.done $0x0  }
0x38: {  	s15 =	sor.u32 $0x8000, s31;
	s16 =	sadd.s32 $0x8810, s27;
	[sflag:s4] =	ssyncadd.s32 s30  }
.LBB1_3:
0x39: {  	v0 =	vmov s17;
	_ =	sdelay $0x3  }
0x3a: {  	s19 =	simm.s32 $0x0  }
0x3b: {  	v1 =	vld.idx.msk [tilespmem:v0+s19+$0x10 ss:$0x1], $0xffff  }
0x3c: {  	v2 =	vld.idx.msk [tilespmem:v0+s19+$0x0 ss:$0x1], $0xffff;
	_ =	sdelay $0x1  }
0x3d: {  	s20 =	simm.s32 $0x80;
	s19 =	smov.u32 s16  }
.LBB1_4:
0x3e: {  	s21 =	sshra.s32 s20, $0x2;
	p1 =	sne.s32 s20, $0x180;
	s20 =	sadd.s32 $0x80, s20  }
.Ltmp3:
0x3f: {  	[tilespmem:s19+$0x0 ss:$0x81] =	vst.msk $0xffff, v1;
	v1 =	vld.idx.msk [tilespmem:v0+s21+$0x10 ss:$0x1], $0xffff;
	(pc) =	sbr.rel @p1 .LBB1_4-.Ltmp3, $2  }
0x40: {  	[tilespmem:s19+$0xFFFFF7F0 ss:$0x81] =	vst.msk $0xffff, v2;
	v2 =	vld.idx.msk [tilespmem:v0+s21+$0x0 ss:$0x1], $0xffff;
	_ =	sdelay $0x2  }
0x41: {  	s19 =	sadd.s32 $0x1020, s19  }
0x42: {  	s18 =	sadd.s32 $0x1, s18  }
0x43: {  	p1 =	sne.s32 s18, $0x80  }
.Ltmp4:
0x44: {  	_ = 	snop;
	(pc) =	sbr.rel @p1 .LBB1_3-.Ltmp4, $3  }
0x45: {  	_ =	sdelay $0x1  }
0x46: {  	[tilespmem:s19+$0x0 ss:$0x81] =	vst.msk $0xffff, v1  }
0x47: {  	s16 =	sadd.s32 $0x1, s16;
	s17 =	sadd.s32 $0x80, s17;
	[tilespmem:s19+$0xFFFFF7F0 ss:$0x81] =	vst.msk $0xffff, v2  }
0x48: {  	s16 =	sshll.u32 s13, $0x3  }
0x49: {  	s16 =	sand.u32 $0xFFFFFC00, s16  }
0x4a: {  	s17 =	sshrl.u32 s16, $0x8  }
0x4b: {  	s17 =	smulhi.u32 $0x10C50B5, s17;
	_ =	sdelay $0x1  }
0x4c: {  	s14 =	smul.u32 $0x3D1000, s14;
	s17 =	sshrl.u32 s17, $0x2  }
0x4d: {  	s27 =	sand.u32 $0x7F, s13;
	s18 =	smul.u32 $0x3D100, s17;
	s28 =	sand.u32 $0x1F, s17  }
0x4e: {  	s13 =	sor.u32 s27, s16;
	s16 =	smul.u32 $0x7A20, s28  }
.Ltmp5:
0x4f: {  	s13 =	ssub.s32 s13, s18;
	(pc) =	sbr.rel .LBB1_7-.Ltmp5, $4  }
0x50: {  	s14 =	sadd.s32 s7, s14;
	s29 =	sand.u32 $0x7, s13  }
0x51: {  	s13 =	sshrl.u32 s13, $0x3;
	s14 =	sadd.s32 s16, s14;
	s30 =	sshll.u32 s29, $0x12  }
0x52: {  	s13 =	sadd.s32 s13, s14;
	s31 =	sor.u32 $0x400, s30  }
0x53: {  	[hbm4b:s13+s31] =	stream.strided.scatter [tilespmem:s15], [sflag:$0x2], $0x4000, s9, s31, $0x20;
	[tilespmem:$0x10100] =	vst v63  }
.LBB1_8:
0x54: {  	_ =	sfence.sel $0x180000  }
0x55: {  	s2 =	simm.s32 $0x1;
	[bflag:$0x0] =	sbarrier.arrive $0xFFFF  }
0x56: {  	s31 =	simm.s32 $0x2;
	[sflag:s2] =	ssyncpa.u1 $0x1  }
0x57: {  	[sflag:s31] =	ssyncpa.u1 $0x1  }
0x58: {  	p0 =	sne.s32 s0, $0x0;
	_ =	strace $0x9000004A  }
0x59: {  	s0 =	sadd.s32 @!p0 $0x100000, s1;
	[bflag:$0x2] =	sbarrier.arrive $0xFFFF  }
0x5a: {  	[sflag:s0] =	ssyncadd.tile.s32 @!p0 $0x1;
	_ =	shalt  }
.Lfunc_end1:
_tile_overlayer_lowered:
.L_overlay_start_2:
0x5b: {  	(tag) =	ssettag $0x2  }
0x5c: {  	s0 =	rddreg [dreg:$0x0];
	s2 =	stileid.u32  }
0x5d: {  	s1 =	rddreg [dreg:$0x1];
	p0 =	sne.s32 s2, $0x0  }
0x5e: {  	s3 =	rddreg [dreg:$0x2];
	[bflag:$0x3] =	sbarrier.arrive $0xFFFF;
	s2 =	simm.s32 @!p0 $0x1C01  }
0x5f: {  	[timem:s3], [sflag:s2] =	dma.local @!p0 [hbm:s0], s1  }
0x60: {  	s0 =	simm.s32 @!p0 $0x1  }
0x61: {  	_ =	swait.ge @!p0 [sflag:s0], s1  }
0x62: {  	s1 =	ssub.s32 @!p0 $0x0, s1;
	[sflag:s0] =	ssyncset.done @!p0 $0x0  }
0x63: {  	[sflag:s0] =	ssyncadd.s32 @!p0 s1  }
0x64: {  	[bflag:$0x3] =	sbarrier.arrive $0xFFFF  }
0x65: {  	_ =	shalt  }

</sc_bundles>
